<compile_context>
chip_gen: v7x
topology: tpu7x:2x2x1
jax: 0.10.2.dev20260603
libtpu: 0.0.44.dev20260713+nightly
codegen_flags: <defaults>
</compile_context>

<pallas_src>
import functools

import jax
import jax.numpy as jnp
from jax import lax
from jax.experimental import pallas as pl
from jax.experimental.pallas import tpu as pltpu
from jax.experimental.pallas import tpu_sc as plsc

VOCAB_ = 100000
HID_ = 128
BATCH_ = 1024
SEQ_ = 50

_TB_ = 8
_SEG_A_ = 16


def _sc_gather(emb, idx_flat):
    info = plsc.get_sparse_core_info()
    nw = info.num_cores * info.num_subcores
    n = idx_flat.shape[0]
    per_w = n // nw
    n_chunks = 2 if per_w <= 800 else 4
    chunk = per_w // n_chunks
    mesh = plsc.VectorSubcoreMesh(core_axis_name="c", subcore_axis_name="s")

    @functools.partial(
        pl.kernel,
        mesh=mesh,
        out_type=jax.ShapeDtypeStruct((n, HID_), jnp.float32),
        scratch_types=[
            pltpu.VMEM((per_w,), jnp.int32),
            pltpu.VMEM((2, chunk, HID_), jnp.float32),
            pltpu.SemaphoreType.DMA,
            pltpu.SemaphoreType.DMA,
            pltpu.SemaphoreType.DMA,
            pltpu.SemaphoreType.DMA,
        ],
    )
    def gather_k(idx_hbm, table_hbm, out_hbm, idx_v, rows_v, sg0, sg1, sw0, sw1):
        wid = lax.axis_index("s") * info.num_cores + lax.axis_index("c")
        base = wid * per_w
        pltpu.sync_copy(idx_hbm.at[pl.ds(base, per_w)], idx_v)
        sg = (sg0, sg1)
        sw = (sw0, sw1)
        pltpu.async_copy(
            table_hbm.at[idx_v.at[pl.ds(0, chunk)]], rows_v.at[0], sg0)
        for c in range(n_chunks):
            b = c % 2
            if c + 1 < n_chunks:
                nb = (c + 1) % 2
                if c + 1 >= 2:
                    pltpu.make_async_copy(
                        rows_v.at[nb],
                        out_hbm.at[pl.ds(base + (c - 1) * chunk, chunk)],
                        sw[nb],
                    ).wait()
                pltpu.async_copy(
                    table_hbm.at[idx_v.at[pl.ds((c + 1) * chunk, chunk)]],
                    rows_v.at[nb], sg[nb])
            pltpu.make_async_copy(
                table_hbm.at[idx_v.at[pl.ds(c * chunk, chunk)]],
                rows_v.at[b], sg[b]).wait()
            pltpu.async_copy(
                rows_v.at[b], out_hbm.at[pl.ds(base + c * chunk, chunk)], sw[b])
        pltpu.make_async_copy(
            rows_v.at[(n_chunks - 2) % 2],
            out_hbm.at[pl.ds(base + (n_chunks - 2) * chunk, chunk)],
            sw[(n_chunks - 2) % 2],
        ).wait()
        pltpu.make_async_copy(
            rows_v.at[(n_chunks - 1) % 2],
            out_hbm.at[pl.ds(base + (n_chunks - 1) * chunk, chunk)],
            sw[(n_chunks - 1) % 2],
        ).wait()

    return gather_k(idx_flat, emb)


def _gru_step(x, h, wih, whh, bi_v, bh_v):
    gi = jnp.dot(x, wih, preferred_element_type=jnp.float32) + bi_v
    gh = jnp.dot(h, whh, preferred_element_type=jnp.float32) + bh_v
    r = jax.nn.sigmoid(gi[:, :HID_] + gh[:, :HID_])
    z = jax.nn.sigmoid(gi[:, HID_:2 * HID_] + gh[:, HID_:2 * HID_])
    nn = jnp.tanh(gi[:, 2 * HID_:] + r * gh[:, 2 * HID_:])
    return (1.0 - z) * nn + z * h


def _gru_seg_a(x3, wih_t, whh_t, bi, bh):
    nblk = _SEG_A_ // _TB_

    def body(x_ref, wih_ref, whh_ref, bi_ref, bh_ref, out_ref, hl_ref, h_ref):
        k = pl.program_id(0)

        @pl.when(k == 0)
        def _init():
            h_ref[...] = jnp.zeros_like(h_ref)

        h = h_ref[...]
        for i in range(_TB_):
            h = _gru_step(x_ref[i], h, wih_ref[...], whh_ref[...],
                          bi_ref[...], bh_ref[...])
            out_ref[:, i, :] = h
        h_ref[...] = h

        @pl.when(k == nblk - 1)
        def _save():
            hl_ref[...] = h

    return pl.pallas_call(
        body,
        grid=(nblk,),
        in_specs=[
            pl.BlockSpec((_TB_, BATCH_, HID_), lambda k: (k, 0, 0)),
            pl.BlockSpec((HID_, 3 * HID_), lambda k: (0, 0)),
            pl.BlockSpec((HID_, 3 * HID_), lambda k: (0, 0)),
            pl.BlockSpec((1, 3 * HID_), lambda k: (0, 0)),
            pl.BlockSpec((1, 3 * HID_), lambda k: (0, 0)),
        ],
        out_specs=[
            pl.BlockSpec((BATCH_, _TB_, HID_), lambda k: (0, k, 0)),
            pl.BlockSpec((BATCH_, HID_), lambda k: (0, 0)),
        ],
        out_shape=[
            jax.ShapeDtypeStruct((BATCH_, SEQ_, HID_), jnp.float32),
            jax.ShapeDtypeStruct((BATCH_, HID_), jnp.float32),
        ],
        scratch_shapes=[pltpu.VMEM((BATCH_, HID_), jnp.float32)],
        compiler_params=pltpu.CompilerParams(
            dimension_semantics=("arbitrary",),
        ),
    )(x3, wih_t, whh_t, bi, bh)


def _gru_seg_b(x3, wih_t, whh_t, bi, bh, h0, out_a):
    seg_len = SEQ_ - _SEG_A_
    blk_off = _SEG_A_ // _TB_
    nblk = (seg_len + _TB_ - 1) // _TB_

    def body(x_ref, wih_ref, whh_ref, bi_ref, bh_ref, h0_ref, buf_ref,
             out_ref, h_ref):
        k = pl.program_id(0)

        @pl.when(k == 0)
        def _init():
            h_ref[...] = h0_ref[...]

        h = h_ref[...]
        for i in range(_TB_):
            h = _gru_step(x_ref[i], h, wih_ref[...], whh_ref[...],
                          bi_ref[...], bh_ref[...])
            out_ref[:, i, :] = h
        h_ref[...] = h

    return pl.pallas_call(
        body,
        grid=(nblk,),
        in_specs=[
            pl.BlockSpec((_TB_, BATCH_, HID_), lambda k: (k, 0, 0)),
            pl.BlockSpec((HID_, 3 * HID_), lambda k: (0, 0)),
            pl.BlockSpec((HID_, 3 * HID_), lambda k: (0, 0)),
            pl.BlockSpec((1, 3 * HID_), lambda k: (0, 0)),
            pl.BlockSpec((1, 3 * HID_), lambda k: (0, 0)),
            pl.BlockSpec((BATCH_, HID_), lambda k: (0, 0)),
            pl.BlockSpec(memory_space=pltpu.MemorySpace.HBM),
        ],
        out_specs=pl.BlockSpec(
            (BATCH_, _TB_, HID_), lambda k: (0, k + blk_off, 0)),
        out_shape=jax.ShapeDtypeStruct((BATCH_, SEQ_, HID_), jnp.float32),
        scratch_shapes=[pltpu.VMEM((BATCH_, HID_), jnp.float32)],
        input_output_aliases={6: 0},
        compiler_params=pltpu.CompilerParams(
            dimension_semantics=("arbitrary",),
        ),
    )(x3, wih_t, whh_t, bi, bh, h0, out_a)


def kernel(T, emb, W_ih, W_hh, b_ih, b_hh):
    idx = T.T.reshape(-1).astype(jnp.int32)
    na = _SEG_A_ * BATCH_
    x_a = _sc_gather(emb, idx[:na]).reshape(_SEG_A_, BATCH_, HID_)
    x_b = _sc_gather(emb, idx[na:]).reshape(SEQ_ - _SEG_A_, BATCH_, HID_)
    wih_t = W_ih.T
    whh_t = W_hh.T
    bi = b_ih.reshape(1, -1)
    bh = b_hh.reshape(1, -1)
    out_a, h_mid = _gru_seg_a(x_a, wih_t, whh_t, bi, bh)
    outputs = _gru_seg_b(x_b, wih_t, whh_t, bi, bh, h_mid, out_a)
    hidden = outputs[:, SEQ_ - 1][None]
    return (outputs, hidden)

# --- scband reference (transcript-rebuilt; emitter-appended) ---
"""Pipeline reference for scband-text-encoder-74302934221213 (READ-ONLY COPY).

The authoritative reference and input builder live on the scoring server;
editing this copy changes nothing except your own understanding.
"""

import jax, jax.numpy as jnp
import numpy as np

VOCAB = 100000
HID = 128
BATCH = 1024
SEQ = 50


def setup_inputs(seed: int = 0) -> dict:
    key = jax.random.key(seed)
    k_t, k_e, k_wi, k_wh, k_bi, k_bh = jax.random.split(key, 6)
    T = jax.random.randint(k_t, (BATCH, SEQ), 0, VOCAB, dtype=jnp.int64 if jax.config.jax_enable_x64 else jnp.int32).astype(jnp.int32)
    s = 1.0 / np.sqrt(HID)
    emb = jax.random.normal(k_e, (VOCAB, HID), dtype=jnp.float32)
    W_ih = jax.random.uniform(k_wi, (3 * HID, HID), minval=-s, maxval=s, dtype=jnp.float32)
    W_hh = jax.random.uniform(k_wh, (3 * HID, HID), minval=-s, maxval=s, dtype=jnp.float32)
    b_ih = jax.random.uniform(k_bi, (3 * HID,), minval=-s, maxval=s, dtype=jnp.float32)
    b_hh = jax.random.uniform(k_bh, (3 * HID,), minval=-s, maxval=s, dtype=jnp.float32)
    return {"T": T, "emb": emb, "W_ih": W_ih, "W_hh": W_hh, "b_ih": b_ih, "b_hh": b_hh}


def _gru(x, h0, W_ih, W_hh, b_ih, b_hh):
    # PyTorch GRU semantics, single layer, batch_first input x: [B, L, H]
    def step(h, xt):
        gi = xt @ W_ih.T + b_ih
        gh = h @ W_hh.T + b_hh
        i_r, i_z, i_n = jnp.split(gi, 3, axis=-1)
        h_r, h_z, h_n = jnp.split(gh, 3, axis=-1)
        r = jax.nn.sigmoid(i_r + h_r)
        z = jax.nn.sigmoid(i_z + h_z)
        n = jnp.tanh(i_n + r * h_n)
        h_new = (1.0 - z) * n + z * h
        return h_new, h_new
    xs = jnp.swapaxes(x, 0, 1)  # [L, B, H]
    h_last, outs = jax.lax.scan(step, h0, xs)
    outputs = jnp.swapaxes(outs, 0, 1)  # [B, L, H]
    hidden = h_last[None, :, :]  # [1, B, H]
    return outputs, hidden


def reference(T, emb, W_ih, W_hh, b_ih, b_hh):
    x = jnp.take(emb, T, axis=0)  # embedding lookup [B, L, H]
    B = x.shape[0]
    h0 = jnp.zeros((B, HID), dtype=x.dtype)  # h=None -> zeros
    outputs, hidden = _gru(x, h0, W_ih, W_hh, b_ih, b_hh)
    return (outputs, hidden)

if __name__ == "__main__":
    import jax
    _d = setup_inputs()
    print(jax.jit(kernel)(*tuple(_d.values())))

</pallas_src>

<mosaic_0001>
#map = affine_map<(d0, d1) -> (0)>
#map1 = affine_map<(d0, d1) -> (0, 0)>
module attributes {stable_mosaic.version = 14 : i64} {
  func.func @gather_k(%arg0: i32, %arg1: i32, %arg2: memref<34816xi32, #tpu.memory_space<hbm>>, %arg3: memref<100000x128xf32, #tpu.memory_space<hbm>>, %arg4: memref<34816x128xf32, #tpu.memory_space<hbm>>, %arg5: memref<1088xi32, #tpu.memory_space<vmem>>, %arg6: memref<2x272x128xf32, #tpu.memory_space<vmem>>, %arg7: memref<!tpu.dma_semaphore, #tpu.memory_space<semaphore_mem>>, %arg8: memref<!tpu.dma_semaphore, #tpu.memory_space<semaphore_mem>>, %arg9: memref<!tpu.dma_semaphore, #tpu.memory_space<semaphore_mem>>, %arg10: memref<!tpu.dma_semaphore, #tpu.memory_space<semaphore_mem>>) attributes {dimension_semantics = [#tpu.dimension_semantics<core_parallel>, #tpu.dimension_semantics<subcore_parallel>], iteration_bounds = array<i64: 2, 16>, scalar_prefetch = 0 : i64, scratch_operands = 6 : i64, tpu.core_type = #tpu.core_type<sc_vector_subcore>, window_params = [{transform_indices = #map}, {transform_indices = #map1}, {transform_indices = #map1}]} {
    %mul3A = arith.constant 2 : i32
    %mul3A_0 = arith.muli %arg1, %mul3A : i32
    %add3A = arith.addi %mul3A_0, %arg0 : i32
    %mul3A_1 = arith.constant 1088 : i32
    %mul3A_2 = arith.muli %add3A, %mul3A_1 : i32
    "tpu.region"() ({
      %run_scoped3A = tpu.sem_alloc : memref<!tpu.dma_semaphore, #tpu.memory_space<semaphore_mem>>
      %dma_start3A_201 = tpu.memref_slice %arg2[%mul3A_2] : memref<34816xi32, #tpu.memory_space<hbm>> -> memref<1088xi32, #tpu.memory_space<hbm>>
      %dma_start3A_202 = tpu.memref_slice %arg2[%mul3A_2] : memref<34816xi32, #tpu.memory_space<hbm>> -> memref<1088xi32, #tpu.memory_space<hbm>>
      tpu.enqueue_dma source(%dma_start3A_202 : memref<1088xi32, #tpu.memory_space<hbm>>) target(%arg5 : memref<1088xi32, #tpu.memory_space<vmem>>) target_semaphore(%run_scoped3A : memref<!tpu.dma_semaphore, #tpu.memory_space<semaphore_mem>>)
      %dma_wait3A_203 = tpu.memref_slice %arg2[%mul3A_2] : memref<34816xi32, #tpu.memory_space<hbm>> -> memref<1088xi32, #tpu.memory_space<hbm>>
      %dma_wait3A_204 = tpu.memref_slice %arg2[%mul3A_2] : memref<34816xi32, #tpu.memory_space<hbm>> -> memref<1088xi32, #tpu.memory_space<hbm>>
      tpu.wait_dma2 semaphore(%run_scoped3A : memref<!tpu.dma_semaphore, #tpu.memory_space<semaphore_mem>>) src(%dma_wait3A_204 : memref<1088xi32, #tpu.memory_space<hbm>>) dst(%arg5 : memref<1088xi32, #tpu.memory_space<vmem>>)
      tpu.yield
    }) : () -> ()
    %dma_start3A = arith.constant 0 : i32
    %dma_start3A_3 = arith.constant 0 : i32
    %dma_start3A_4 = arith.constant 0 : i32
    %dma_start3A_5 = tpu.memref_slice %arg6[%dma_start3A, %dma_start3A_3, %dma_start3A_4] : memref<2x272x128xf32, #tpu.memory_space<vmem>> -> memref<1x272x128xf32, #tpu.memory_space<vmem>>
    %dma_start3A_6 = tpu.memref_squeeze %dma_start3A_5 : memref<1x272x128xf32, #tpu.memory_space<vmem>> -> memref<272x128xf32, #tpu.memory_space<vmem>>
    %dma_start3A_7 = arith.constant 0 : i32
    %dma_start3A_8 = tpu.memref_slice %arg5[%dma_start3A_7] : memref<1088xi32, #tpu.memory_space<vmem>> -> memref<272xi32, #tpu.memory_space<vmem>>
    %dma_start3A_9 = arith.constant 0 : i32
    %dma_start3A_10 = arith.constant 0 : i32
    %dma_start3A_11 = tpu.memref_slice %arg3[%dma_start3A_9, %dma_start3A_10] : memref<100000x128xf32, #tpu.memory_space<hbm>> -> memref<100000x128xf32, #tpu.memory_space<hbm>>
    tpu.enqueue_indirect_dma source(%dma_start3A_11 : memref<100000x128xf32, #tpu.memory_space<hbm>>) target(%dma_start3A_6 : memref<272x128xf32, #tpu.memory_space<vmem>>) offsets(%dma_start3A_8 : memref<272xi32, #tpu.memory_space<vmem>>) semaphore(%arg7 : memref<!tpu.dma_semaphore, #tpu.memory_space<semaphore_mem>>)
    %dma_start3A_12 = arith.constant 1 : i32
    %dma_start3A_13 = arith.constant 0 : i32
    %dma_start3A_14 = arith.constant 0 : i32
    %dma_start3A_15 = tpu.memref_slice %arg6[%dma_start3A_12, %dma_start3A_13, %dma_start3A_14] : memref<2x272x128xf32, #tpu.memory_space<vmem>> -> memref<1x272x128xf32, #tpu.memory_space<vmem>>
    %dma_start3A_16 = tpu.memref_squeeze %dma_start3A_15 : memref<1x272x128xf32, #tpu.memory_space<vmem>> -> memref<272x128xf32, #tpu.memory_space<vmem>>
    %dma_start3A_17 = arith.constant 272 : i32
    %dma_start3A_18 = tpu.memref_slice %arg5[%dma_start3A_17] : memref<1088xi32, #tpu.memory_space<vmem>> -> memref<272xi32, #tpu.memory_space<vmem>>
    %dma_start3A_19 = arith.constant 0 : i32
    %dma_start3A_20 = arith.constant 0 : i32
    %dma_start3A_21 = tpu.memref_slice %arg3[%dma_start3A_19, %dma_start3A_20] : memref<100000x128xf32, #tpu.memory_space<hbm>> -> memref<100000x128xf32, #tpu.memory_space<hbm>>
    tpu.enqueue_indirect_dma source(%dma_start3A_21 : memref<100000x128xf32, #tpu.memory_space<hbm>>) target(%dma_start3A_16 : memref<272x128xf32, #tpu.memory_space<vmem>>) offsets(%dma_start3A_18 : memref<272xi32, #tpu.memory_space<vmem>>) semaphore(%arg8 : memref<!tpu.dma_semaphore, #tpu.memory_space<semaphore_mem>>)
    %dma_wait3A = arith.constant 0 : i32
    %dma_wait3A_22 = arith.constant 0 : i32
    %dma_wait3A_23 = arith.constant 0 : i32
    %dma_wait3A_24 = tpu.memref_slice %arg6[%dma_wait3A, %dma_wait3A_22, %dma_wait3A_23] : memref<2x272x128xf32, #tpu.memory_space<vmem>> -> memref<1x272x128xf32, #tpu.memory_space<vmem>>
    %dma_wait3A_25 = tpu.memref_squeeze %dma_wait3A_24 : memref<1x272x128xf32, #tpu.memory_space<vmem>> -> memref<272x128xf32, #tpu.memory_space<vmem>>
    %dma_wait3A_26 = arith.constant 0 : i32
    %dma_wait3A_27 = tpu.memref_slice %arg5[%dma_wait3A_26] : memref<1088xi32, #tpu.memory_space<vmem>> -> memref<272xi32, #tpu.memory_space<vmem>>
    %dma_wait3A_28 = arith.constant 0 : i32
    %dma_wait3A_29 = arith.constant 0 : i32
    %dma_wait3A_30 = tpu.memref_slice %arg3[%dma_wait3A_28, %dma_wait3A_29] : memref<100000x128xf32, #tpu.memory_space<hbm>> -> memref<100000x128xf32, #tpu.memory_space<hbm>>
    tpu.wait_indirect_dma semaphore(%arg7 : memref<!tpu.dma_semaphore, #tpu.memory_space<semaphore_mem>>) src(%dma_wait3A_30 : memref<100000x128xf32, #tpu.memory_space<hbm>>) dst(%dma_wait3A_25 : memref<272x128xf32, #tpu.memory_space<vmem>>)
    %add3A_31 = arith.constant 0 : i32
    %add3A_32 = arith.addi %mul3A_2, %add3A_31 : i32
    %dma_start3A_33 = arith.constant 0 : i32
    %dma_start3A_34 = arith.constant 0 : i32
    %dma_start3A_35 = arith.constant 0 : i32
    %dma_start3A_36 = tpu.memref_slice %arg6[%dma_start3A_33, %dma_start3A_34, %dma_start3A_35] : memref<2x272x128xf32, #tpu.memory_space<vmem>> -> memref<1x272x128xf32, #tpu.memory_space<vmem>>
    %dma_start3A_37 = tpu.memref_squeeze %dma_start3A_36 : memref<1x272x128xf32, #tpu.memory_space<vmem>> -> memref<272x128xf32, #tpu.memory_space<vmem>>
    %dma_start3A_38 = arith.constant 0 : i32
    %dma_start3A_39 = tpu.memref_slice %arg4[%add3A_32, %dma_start3A_38] : memref<34816x128xf32, #tpu.memory_space<hbm>> -> memref<272x128xf32, #tpu.memory_space<hbm>>
    %dma_start3A_40 = arith.constant 0 : i32
    %dma_start3A_41 = tpu.memref_slice %arg4[%add3A_32, %dma_start3A_40] : memref<34816x128xf32, #tpu.memory_space<hbm>> -> memref<272x128xf32, #tpu.memory_space<hbm>>
    %dma_start3A_42 = arith.constant 0 : i32
    %dma_start3A_43 = arith.constant 0 : i32
    %dma_start3A_44 = tpu.memref_slice %arg6[%dma_start3A_33, %dma_start3A_42, %dma_start3A_43] : memref<2x272x128xf32, #tpu.memory_space<vmem>> -> memref<1x272x128xf32, #tpu.memory_space<vmem>>
    %dma_start3A_45 = tpu.memref_squeeze %dma_start3A_44 : memref<1x272x128xf32, #tpu.memory_space<vmem>> -> memref<272x128xf32, #tpu.memory_space<vmem>>
    tpu.enqueue_dma source(%dma_start3A_45 : memref<272x128xf32, #tpu.memory_space<vmem>>) target(%dma_start3A_41 : memref<272x128xf32, #tpu.memory_space<hbm>>) target_semaphore(%arg9 : memref<!tpu.dma_semaphore, #tpu.memory_space<semaphore_mem>>)
    %add3A_46 = arith.constant 0 : i32
    %add3A_47 = arith.addi %mul3A_2, %add3A_46 : i32
    %dma_wait3A_48 = arith.constant 0 : i32
    %dma_wait3A_49 = arith.constant 0 : i32
    %dma_wait3A_50 = arith.constant 0 : i32
    %dma_wait3A_51 = tpu.memref_slice %arg6[%dma_wait3A_48, %dma_wait3A_49, %dma_wait3A_50] : memref<2x272x128xf32, #tpu.memory_space<vmem>> -> memref<1x272x128xf32, #tpu.memory_space<vmem>>
    %dma_wait3A_52 = tpu.memref_squeeze %dma_wait3A_51 : memref<1x272x128xf32, #tpu.memory_space<vmem>> -> memref<272x128xf32, #tpu.memory_space<vmem>>
    %dma_wait3A_53 = arith.constant 0 : i32
    %dma_wait3A_54 = tpu.memref_slice %arg4[%add3A_47, %dma_wait3A_53] : memref<34816x128xf32, #tpu.memory_space<hbm>> -> memref<272x128xf32, #tpu.memory_space<hbm>>
    %dma_wait3A_55 = arith.constant 0 : i32
    %dma_wait3A_56 = tpu.memref_slice %arg4[%add3A_47, %dma_wait3A_55] : memref<34816x128xf32, #tpu.memory_space<hbm>> -> memref<272x128xf32, #tpu.memory_space<hbm>>
    %dma_wait3A_57 = arith.constant 0 : i32
    %dma_wait3A_58 = arith.constant 0 : i32
    %dma_wait3A_59 = tpu.memref_slice %arg6[%dma_wait3A_48, %dma_wait3A_57, %dma_wait3A_58] : memref<2x272x128xf32, #tpu.memory_space<vmem>> -> memref<1x272x128xf32, #tpu.memory_space<vmem>>
    %dma_wait3A_60 = tpu.memref_squeeze %dma_wait3A_59 : memref<1x272x128xf32, #tpu.memory_space<vmem>> -> memref<272x128xf32, #tpu.memory_space<vmem>>
    tpu.wait_dma2 semaphore(%arg9 : memref<!tpu.dma_semaphore, #tpu.memory_space<semaphore_mem>>) src(%dma_wait3A_60 : memref<272x128xf32, #tpu.memory_space<vmem>>) dst(%dma_wait3A_56 : memref<272x128xf32, #tpu.memory_space<hbm>>)
    %dma_start3A_61 = arith.constant 0 : i32
    %dma_start3A_62 = arith.constant 0 : i32
    %dma_start3A_63 = arith.constant 0 : i32
    %dma_start3A_64 = tpu.memref_slice %arg6[%dma_start3A_61, %dma_start3A_62, %dma_start3A_63] : memref<2x272x128xf32, #tpu.memory_space<vmem>> -> memref<1x272x128xf32, #tpu.memory_space<vmem>>
    %dma_start3A_65 = tpu.memref_squeeze %dma_start3A_64 : memref<1x272x128xf32, #tpu.memory_space<vmem>> -> memref<272x128xf32, #tpu.memory_space<vmem>>
    %dma_start3A_66 = arith.constant 544 : i32
    %dma_start3A_67 = tpu.memref_slice %arg5[%dma_start3A_66] : memref<1088xi32, #tpu.memory_space<vmem>> -> memref<272xi32, #tpu.memory_space<vmem>>
    %dma_start3A_68 = arith.constant 0 : i32
    %dma_start3A_69 = arith.constant 0 : i32
    %dma_start3A_70 = tpu.memref_slice %arg3[%dma_start3A_68, %dma_start3A_69] : memref<100000x128xf32, #tpu.memory_space<hbm>> -> memref<100000x128xf32, #tpu.memory_space<hbm>>
    tpu.enqueue_indirect_dma source(%dma_start3A_70 : memref<100000x128xf32, #tpu.memory_space<hbm>>) target(%dma_start3A_65 : memref<272x128xf32, #tpu.memory_space<vmem>>) offsets(%dma_start3A_67 : memref<272xi32, #tpu.memory_space<vmem>>) semaphore(%arg7 : memref<!tpu.dma_semaphore, #tpu.memory_space<semaphore_mem>>)
    %dma_wait3A_71 = arith.constant 1 : i32
    %dma_wait3A_72 = arith.constant 0 : i32
    %dma_wait3A_73 = arith.constant 0 : i32
    %dma_wait3A_74 = tpu.memref_slice %arg6[%dma_wait3A_71, %dma_wait3A_72, %dma_wait3A_73] : memref<2x272x128xf32, #tpu.memory_space<vmem>> -> memref<1x272x128xf32, #tpu.memory_space<vmem>>
    %dma_wait3A_75 = tpu.memref_squeeze %dma_wait3A_74 : memref<1x272x128xf32, #tpu.memory_space<vmem>> -> memref<272x128xf32, #tpu.memory_space<vmem>>
    %dma_wait3A_76 = arith.constant 272 : i32
    %dma_wait3A_77 = tpu.memref_slice %arg5[%dma_wait3A_76] : memref<1088xi32, #tpu.memory_space<vmem>> -> memref<272xi32, #tpu.memory_space<vmem>>
    %dma_wait3A_78 = arith.constant 0 : i32
    %dma_wait3A_79 = arith.constant 0 : i32
    %dma_wait3A_80 = tpu.memref_slice %arg3[%dma_wait3A_78, %dma_wait3A_79] : memref<100000x128xf32, #tpu.memory_space<hbm>> -> memref<100000x128xf32, #tpu.memory_space<hbm>>
    tpu.wait_indirect_dma semaphore(%arg8 : memref<!tpu.dma_semaphore, #tpu.memory_space<semaphore_mem>>) src(%dma_wait3A_80 : memref<100000x128xf32, #tpu.memory_space<hbm>>) dst(%dma_wait3A_75 : memref<272x128xf32, #tpu.memory_space<vmem>>)
    %add3A_81 = arith.constant 272 : i32
    %add3A_82 = arith.addi %mul3A_2, %add3A_81 : i32
    %dma_start3A_83 = arith.constant 1 : i32
    %dma_start3A_84 = arith.constant 0 : i32
    %dma_start3A_85 = arith.constant 0 : i32
    %dma_start3A_86 = tpu.memref_slice %arg6[%dma_start3A_83, %dma_start3A_84, %dma_start3A_85] : memref<2x272x128xf32, #tpu.memory_space<vmem>> -> memref<1x272x128xf32, #tpu.memory_space<vmem>>
    %dma_start3A_87 = tpu.memref_squeeze %dma_start3A_86 : memref<1x272x128xf32, #tpu.memory_space<vmem>> -> memref<272x128xf32, #tpu.memory_space<vmem>>
    %dma_start3A_88 = arith.constant 0 : i32
    %dma_start3A_89 = tpu.memref_slice %arg4[%add3A_82, %dma_start3A_88] : memref<34816x128xf32, #tpu.memory_space<hbm>> -> memref<272x128xf32, #tpu.memory_space<hbm>>
    %dma_start3A_90 = arith.constant 0 : i32
    %dma_start3A_91 = tpu.memref_slice %arg4[%add3A_82, %dma_start3A_90] : memref<34816x128xf32, #tpu.memory_space<hbm>> -> memref<272x128xf32, #tpu.memory_space<hbm>>
    %dma_start3A_92 = arith.constant 0 : i32
    %dma_start3A_93 = arith.constant 0 : i32
    %dma_start3A_94 = tpu.memref_slice %arg6[%dma_start3A_83, %dma_start3A_92, %dma_start3A_93] : memref<2x272x128xf32, #tpu.memory_space<vmem>> -> memref<1x272x128xf32, #tpu.memory_space<vmem>>
    %dma_start3A_95 = tpu.memref_squeeze %dma_start3A_94 : memref<1x272x128xf32, #tpu.memory_space<vmem>> -> memref<272x128xf32, #tpu.memory_space<vmem>>
    tpu.enqueue_dma source(%dma_start3A_95 : memref<272x128xf32, #tpu.memory_space<vmem>>) target(%dma_start3A_91 : memref<272x128xf32, #tpu.memory_space<hbm>>) target_semaphore(%arg10 : memref<!tpu.dma_semaphore, #tpu.memory_space<semaphore_mem>>)
    %add3A_96 = arith.constant 272 : i32
    %add3A_97 = arith.addi %mul3A_2, %add3A_96 : i32
    %dma_wait3A_98 = arith.constant 1 : i32
    %dma_wait3A_99 = arith.constant 0 : i32
    %dma_wait3A_100 = arith.constant 0 : i32
    %dma_wait3A_101 = tpu.memref_slice %arg6[%dma_wait3A_98, %dma_wait3A_99, %dma_wait3A_100] : memref<2x272x128xf32, #tpu.memory_space<vmem>> -> memref<1x272x128xf32, #tpu.memory_space<vmem>>
    %dma_wait3A_102 = tpu.memref_squeeze %dma_wait3A_101 : memref<1x272x128xf32, #tpu.memory_space<vmem>> -> memref<272x128xf32, #tpu.memory_space<vmem>>
    %dma_wait3A_103 = arith.constant 0 : i32
    %dma_wait3A_104 = tpu.memref_slice %arg4[%add3A_97, %dma_wait3A_103] : memref<34816x128xf32, #tpu.memory_space<hbm>> -> memref<272x128xf32, #tpu.memory_space<hbm>>
    %dma_wait3A_105 = arith.constant 0 : i32
    %dma_wait3A_106 = tpu.memref_slice %arg4[%add3A_97, %dma_wait3A_105] : memref<34816x128xf32, #tpu.memory_space<hbm>> -> memref<272x128xf32, #tpu.memory_space<hbm>>
    %dma_wait3A_107 = arith.constant 0 : i32
    %dma_wait3A_108 = arith.constant 0 : i32
    %dma_wait3A_109 = tpu.memref_slice %arg6[%dma_wait3A_98, %dma_wait3A_107, %dma_wait3A_108] : memref<2x272x128xf32, #tpu.memory_space<vmem>> -> memref<1x272x128xf32, #tpu.memory_space<vmem>>
    %dma_wait3A_110 = tpu.memref_squeeze %dma_wait3A_109 : memref<1x272x128xf32, #tpu.memory_space<vmem>> -> memref<272x128xf32, #tpu.memory_space<vmem>>
    tpu.wait_dma2 semaphore(%arg10 : memref<!tpu.dma_semaphore, #tpu.memory_space<semaphore_mem>>) src(%dma_wait3A_110 : memref<272x128xf32, #tpu.memory_space<vmem>>) dst(%dma_wait3A_106 : memref<272x128xf32, #tpu.memory_space<hbm>>)
    %dma_start3A_111 = arith.constant 1 : i32
    %dma_start3A_112 = arith.constant 0 : i32
    %dma_start3A_113 = arith.constant 0 : i32
    %dma_start3A_114 = tpu.memref_slice %arg6[%dma_start3A_111, %dma_start3A_112, %dma_start3A_113] : memref<2x272x128xf32, #tpu.memory_space<vmem>> -> memref<1x272x128xf32, #tpu.memory_space<vmem>>
    %dma_start3A_115 = tpu.memref_squeeze %dma_start3A_114 : memref<1x272x128xf32, #tpu.memory_space<vmem>> -> memref<272x128xf32, #tpu.memory_space<vmem>>
    %dma_start3A_116 = arith.constant 816 : i32
    %dma_start3A_117 = tpu.memref_slice %arg5[%dma_start3A_116] : memref<1088xi32, #tpu.memory_space<vmem>> -> memref<272xi32, #tpu.memory_space<vmem>>
    %dma_start3A_118 = arith.constant 0 : i32
    %dma_start3A_119 = arith.constant 0 : i32
    %dma_start3A_120 = tpu.memref_slice %arg3[%dma_start3A_118, %dma_start3A_119] : memref<100000x128xf32, #tpu.memory_space<hbm>> -> memref<100000x128xf32, #tpu.memory_space<hbm>>
    tpu.enqueue_indirect_dma source(%dma_start3A_120 : memref<100000x128xf32, #tpu.memory_space<hbm>>) target(%dma_start3A_115 : memref<272x128xf32, #tpu.memory_space<vmem>>) offsets(%dma_start3A_117 : memref<272xi32, #tpu.memory_space<vmem>>) semaphore(%arg8 : memref<!tpu.dma_semaphore, #tpu.memory_space<semaphore_mem>>)
    %dma_wait3A_121 = arith.constant 0 : i32
    %dma_wait3A_122 = arith.constant 0 : i32
    %dma_wait3A_123 = arith.constant 0 : i32
    %dma_wait3A_124 = tpu.memref_slice %arg6[%dma_wait3A_121, %dma_wait3A_122, %dma_wait3A_123] : memref<2x272x128xf32, #tpu.memory_space<vmem>> -> memref<1x272x128xf32, #tpu.memory_space<vmem>>
    %dma_wait3A_125 = tpu.memref_squeeze %dma_wait3A_124 : memref<1x272x128xf32, #tpu.memory_space<vmem>> -> memref<272x128xf32, #tpu.memory_space<vmem>>
    %dma_wait3A_126 = arith.constant 544 : i32
    %dma_wait3A_127 = tpu.memref_slice %arg5[%dma_wait3A_126] : memref<1088xi32, #tpu.memory_space<vmem>> -> memref<272xi32, #tpu.memory_space<vmem>>
    %dma_wait3A_128 = arith.constant 0 : i32
    %dma_wait3A_129 = arith.constant 0 : i32
    %dma_wait3A_130 = tpu.memref_slice %arg3[%dma_wait3A_128, %dma_wait3A_129] : memref<100000x128xf32, #tpu.memory_space<hbm>> -> memref<100000x128xf32, #tpu.memory_space<hbm>>
    tpu.wait_indirect_dma semaphore(%arg7 : memref<!tpu.dma_semaphore, #tpu.memory_space<semaphore_mem>>) src(%dma_wait3A_130 : memref<100000x128xf32, #tpu.memory_space<hbm>>) dst(%dma_wait3A_125 : memref<272x128xf32, #tpu.memory_space<vmem>>)
    %add3A_131 = arith.constant 544 : i32
    %add3A_132 = arith.addi %mul3A_2, %add3A_131 : i32
    %dma_start3A_133 = arith.constant 0 : i32
    %dma_start3A_134 = arith.constant 0 : i32
    %dma_start3A_135 = arith.constant 0 : i32
    %dma_start3A_136 = tpu.memref_slice %arg6[%dma_start3A_133, %dma_start3A_134, %dma_start3A_135] : memref<2x272x128xf32, #tpu.memory_space<vmem>> -> memref<1x272x128xf32, #tpu.memory_space<vmem>>
    %dma_start3A_137 = tpu.memref_squeeze %dma_start3A_136 : memref<1x272x128xf32, #tpu.memory_space<vmem>> -> memref<272x128xf32, #tpu.memory_space<vmem>>
    %dma_start3A_138 = arith.constant 0 : i32
    %dma_start3A_139 = tpu.memref_slice %arg4[%add3A_132, %dma_start3A_138] : memref<34816x128xf32, #tpu.memory_space<hbm>> -> memref<272x128xf32, #tpu.memory_space<hbm>>
    %dma_start3A_140 = arith.constant 0 : i32
    %dma_start3A_141 = tpu.memref_slice %arg4[%add3A_132, %dma_start3A_140] : memref<34816x128xf32, #tpu.memory_space<hbm>> -> memref<272x128xf32, #tpu.memory_space<hbm>>
    %dma_start3A_142 = arith.constant 0 : i32
    %dma_start3A_143 = arith.constant 0 : i32
    %dma_start3A_144 = tpu.memref_slice %arg6[%dma_start3A_133, %dma_start3A_142, %dma_start3A_143] : memref<2x272x128xf32, #tpu.memory_space<vmem>> -> memref<1x272x128xf32, #tpu.memory_space<vmem>>
    %dma_start3A_145 = tpu.memref_squeeze %dma_start3A_144 : memref<1x272x128xf32, #tpu.memory_space<vmem>> -> memref<272x128xf32, #tpu.memory_space<vmem>>
    tpu.enqueue_dma source(%dma_start3A_145 : memref<272x128xf32, #tpu.memory_space<vmem>>) target(%dma_start3A_141 : memref<272x128xf32, #tpu.memory_space<hbm>>) target_semaphore(%arg9 : memref<!tpu.dma_semaphore, #tpu.memory_space<semaphore_mem>>)
    %dma_wait3A_146 = arith.constant 1 : i32
    %dma_wait3A_147 = arith.constant 0 : i32
    %dma_wait3A_148 = arith.constant 0 : i32
    %dma_wait3A_149 = tpu.memref_slice %arg6[%dma_wait3A_146, %dma_wait3A_147, %dma_wait3A_148] : memref<2x272x128xf32, #tpu.memory_space<vmem>> -> memref<1x272x128xf32, #tpu.memory_space<vmem>>
    %dma_wait3A_150 = tpu.memref_squeeze %dma_wait3A_149 : memref<1x272x128xf32, #tpu.memory_space<vmem>> -> memref<272x128xf32, #tpu.memory_space<vmem>>
    %dma_wait3A_151 = arith.constant 816 : i32
    %dma_wait3A_152 = tpu.memref_slice %arg5[%dma_wait3A_151] : memref<1088xi32, #tpu.memory_space<vmem>> -> memref<272xi32, #tpu.memory_space<vmem>>
    %dma_wait3A_153 = arith.constant 0 : i32
    %dma_wait3A_154 = arith.constant 0 : i32
    %dma_wait3A_155 = tpu.memref_slice %arg3[%dma_wait3A_153, %dma_wait3A_154] : memref<100000x128xf32, #tpu.memory_space<hbm>> -> memref<100000x128xf32, #tpu.memory_space<hbm>>
    tpu.wait_indirect_dma semaphore(%arg8 : memref<!tpu.dma_semaphore, #tpu.memory_space<semaphore_mem>>) src(%dma_wait3A_155 : memref<100000x128xf32, #tpu.memory_space<hbm>>) dst(%dma_wait3A_150 : memref<272x128xf32, #tpu.memory_space<vmem>>)
    %add3A_156 = arith.constant 816 : i32
    %add3A_157 = arith.addi %mul3A_2, %add3A_156 : i32
    %dma_start3A_158 = arith.constant 1 : i32
    %dma_start3A_159 = arith.constant 0 : i32
    %dma_start3A_160 = arith.constant 0 : i32
    %dma_start3A_161 = tpu.memref_slice %arg6[%dma_start3A_158, %dma_start3A_159, %dma_start3A_160] : memref<2x272x128xf32, #tpu.memory_space<vmem>> -> memref<1x272x128xf32, #tpu.memory_space<vmem>>
    %dma_start3A_162 = tpu.memref_squeeze %dma_start3A_161 : memref<1x272x128xf32, #tpu.memory_space<vmem>> -> memref<272x128xf32, #tpu.memory_space<vmem>>
    %dma_start3A_163 = arith.constant 0 : i32
    %dma_start3A_164 = tpu.memref_slice %arg4[%add3A_157, %dma_start3A_163] : memref<34816x128xf32, #tpu.memory_space<hbm>> -> memref<272x128xf32, #tpu.memory_space<hbm>>
    %dma_start3A_165 = arith.constant 0 : i32
    %dma_start3A_166 = tpu.memref_slice %arg4[%add3A_157, %dma_start3A_165] : memref<34816x128xf32, #tpu.memory_space<hbm>> -> memref<272x128xf32, #tpu.memory_space<hbm>>
    %dma_start3A_167 = arith.constant 0 : i32
    %dma_start3A_168 = arith.constant 0 : i32
    %dma_start3A_169 = tpu.memref_slice %arg6[%dma_start3A_158, %dma_start3A_167, %dma_start3A_168] : memref<2x272x128xf32, #tpu.memory_space<vmem>> -> memref<1x272x128xf32, #tpu.memory_space<vmem>>
    %dma_start3A_170 = tpu.memref_squeeze %dma_start3A_169 : memref<1x272x128xf32, #tpu.memory_space<vmem>> -> memref<272x128xf32, #tpu.memory_space<vmem>>
    tpu.enqueue_dma source(%dma_start3A_170 : memref<272x128xf32, #tpu.memory_space<vmem>>) target(%dma_start3A_166 : memref<272x128xf32, #tpu.memory_space<hbm>>) target_semaphore(%arg10 : memref<!tpu.dma_semaphore, #tpu.memory_space<semaphore_mem>>)
    %add3A_171 = arith.constant 544 : i32
    %add3A_172 = arith.addi %mul3A_2, %add3A_171 : i32
    %dma_wait3A_173 = arith.constant 0 : i32
    %dma_wait3A_174 = arith.constant 0 : i32
    %dma_wait3A_175 = arith.constant 0 : i32
    %dma_wait3A_176 = tpu.memref_slice %arg6[%dma_wait3A_173, %dma_wait3A_174, %dma_wait3A_175] : memref<2x272x128xf32, #tpu.memory_space<vmem>> -> memref<1x272x128xf32, #tpu.memory_space<vmem>>
    %dma_wait3A_177 = tpu.memref_squeeze %dma_wait3A_176 : memref<1x272x128xf32, #tpu.memory_space<vmem>> -> memref<272x128xf32, #tpu.memory_space<vmem>>
    %dma_wait3A_178 = arith.constant 0 : i32
    %dma_wait3A_179 = tpu.memref_slice %arg4[%add3A_172, %dma_wait3A_178] : memref<34816x128xf32, #tpu.memory_space<hbm>> -> memref<272x128xf32, #tpu.memory_space<hbm>>
    %dma_wait3A_180 = arith.constant 0 : i32
    %dma_wait3A_181 = tpu.memref_slice %arg4[%add3A_172, %dma_wait3A_180] : memref<34816x128xf32, #tpu.memory_space<hbm>> -> memref<272x128xf32, #tpu.memory_space<hbm>>
    %dma_wait3A_182 = arith.constant 0 : i32
    %dma_wait3A_183 = arith.constant 0 : i32
    %dma_wait3A_184 = tpu.memref_slice %arg6[%dma_wait3A_173, %dma_wait3A_182, %dma_wait3A_183] : memref<2x272x128xf32, #tpu.memory_space<vmem>> -> memref<1x272x128xf32, #tpu.memory_space<vmem>>
    %dma_wait3A_185 = tpu.memref_squeeze %dma_wait3A_184 : memref<1x272x128xf32, #tpu.memory_space<vmem>> -> memref<272x128xf32, #tpu.memory_space<vmem>>
    tpu.wait_dma2 semaphore(%arg9 : memref<!tpu.dma_semaphore, #tpu.memory_space<semaphore_mem>>) src(%dma_wait3A_185 : memref<272x128xf32, #tpu.memory_space<vmem>>) dst(%dma_wait3A_181 : memref<272x128xf32, #tpu.memory_space<hbm>>)
    %add3A_186 = arith.constant 816 : i32
    %add3A_187 = arith.addi %mul3A_2, %add3A_186 : i32
    %dma_wait3A_188 = arith.constant 1 : i32
    %dma_wait3A_189 = arith.constant 0 : i32
    %dma_wait3A_190 = arith.constant 0 : i32
    %dma_wait3A_191 = tpu.memref_slice %arg6[%dma_wait3A_188, %dma_wait3A_189, %dma_wait3A_190] : memref<2x272x128xf32, #tpu.memory_space<vmem>> -> memref<1x272x128xf32, #tpu.memory_space<vmem>>
    %dma_wait3A_192 = tpu.memref_squeeze %dma_wait3A_191 : memref<1x272x128xf32, #tpu.memory_space<vmem>> -> memref<272x128xf32, #tpu.memory_space<vmem>>
    %dma_wait3A_193 = arith.constant 0 : i32
    %dma_wait3A_194 = tpu.memref_slice %arg4[%add3A_187, %dma_wait3A_193] : memref<34816x128xf32, #tpu.memory_space<hbm>> -> memref<272x128xf32, #tpu.memory_space<hbm>>
    %dma_wait3A_195 = arith.constant 0 : i32
    %dma_wait3A_196 = tpu.memref_slice %arg4[%add3A_187, %dma_wait3A_195] : memref<34816x128xf32, #tpu.memory_space<hbm>> -> memref<272x128xf32, #tpu.memory_space<hbm>>
    %dma_wait3A_197 = arith.constant 0 : i32
    %dma_wait3A_198 = arith.constant 0 : i32
    %dma_wait3A_199 = tpu.memref_slice %arg6[%dma_wait3A_188, %dma_wait3A_197, %dma_wait3A_198] : memref<2x272x128xf32, #tpu.memory_space<vmem>> -> memref<1x272x128xf32, #tpu.memory_space<vmem>>
    %dma_wait3A_200 = tpu.memref_squeeze %dma_wait3A_199 : memref<1x272x128xf32, #tpu.memory_space<vmem>> -> memref<272x128xf32, #tpu.memory_space<vmem>>
    tpu.wait_dma2 semaphore(%arg10 : memref<!tpu.dma_semaphore, #tpu.memory_space<semaphore_mem>>) src(%dma_wait3A_200 : memref<272x128xf32, #tpu.memory_space<vmem>>) dst(%dma_wait3A_196 : memref<272x128xf32, #tpu.memory_space<hbm>>)
    return
  }
}

#map = affine_map<(d0, d1) -> (0)>
#map1 = affine_map<(d0, d1) -> (0, 0)>
module attributes {stable_mosaic.version = 14 : i64} {
  func.func @gather_k(%arg0: i32, %arg1: i32, %arg2: memref<16384xi32, #tpu.memory_space<hbm>>, %arg3: memref<100000x128xf32, #tpu.memory_space<hbm>>, %arg4: memref<16384x128xf32, #tpu.memory_space<hbm>>, %arg5: memref<512xi32, #tpu.memory_space<vmem>>, %arg6: memref<2x256x128xf32, #tpu.memory_space<vmem>>, %arg7: memref<!tpu.dma_semaphore, #tpu.memory_space<semaphore_mem>>, %arg8: memref<!tpu.dma_semaphore, #tpu.memory_space<semaphore_mem>>, %arg9: memref<!tpu.dma_semaphore, #tpu.memory_space<semaphore_mem>>, %arg10: memref<!tpu.dma_semaphore, #tpu.memory_space<semaphore_mem>>) attributes {dimension_semantics = [#tpu.dimension_semantics<core_parallel>, #tpu.dimension_semantics<subcore_parallel>], iteration_bounds = array<i64: 2, 16>, scalar_prefetch = 0 : i64, scratch_operands = 6 : i64, tpu.core_type = #tpu.core_type<sc_vector_subcore>, window_params = [{transform_indices = #map}, {transform_indices = #map1}, {transform_indices = #map1}]} {
    %mul3A = arith.constant 2 : i32
    %mul3A_0 = arith.muli %arg1, %mul3A : i32
    %add3A = arith.addi %mul3A_0, %arg0 : i32
    %mul3A_1 = arith.constant 512 : i32
    %mul3A_2 = arith.muli %add3A, %mul3A_1 : i32
    "tpu.region"() ({
      %run_scoped3A = tpu.sem_alloc : memref<!tpu.dma_semaphore, #tpu.memory_space<semaphore_mem>>
      %dma_start3A_101 = tpu.memref_slice %arg2[%mul3A_2] : memref<16384xi32, #tpu.memory_space<hbm>> -> memref<512xi32, #tpu.memory_space<hbm>>
      %dma_start3A_102 = tpu.memref_slice %arg2[%mul3A_2] : memref<16384xi32, #tpu.memory_space<hbm>> -> memref<512xi32, #tpu.memory_space<hbm>>
      tpu.enqueue_dma source(%dma_start3A_102 : memref<512xi32, #tpu.memory_space<hbm>>) target(%arg5 : memref<512xi32, #tpu.memory_space<vmem>>) target_semaphore(%run_scoped3A : memref<!tpu.dma_semaphore, #tpu.memory_space<semaphore_mem>>)
      %dma_wait3A_103 = tpu.memref_slice %arg2[%mul3A_2] : memref<16384xi32, #tpu.memory_space<hbm>> -> memref<512xi32, #tpu.memory_space<hbm>>
      %dma_wait3A_104 = tpu.memref_slice %arg2[%mul3A_2] : memref<16384xi32, #tpu.memory_space<hbm>> -> memref<512xi32, #tpu.memory_space<hbm>>
      tpu.wait_dma2 semaphore(%run_scoped3A : memref<!tpu.dma_semaphore, #tpu.memory_space<semaphore_mem>>) src(%dma_wait3A_104 : memref<512xi32, #tpu.memory_space<hbm>>) dst(%arg5 : memref<512xi32, #tpu.memory_space<vmem>>)
      tpu.yield
    }) : () -> ()
    %dma_start3A = arith.constant 0 : i32
    %dma_start3A_3 = arith.constant 0 : i32
    %dma_start3A_4 = arith.constant 0 : i32
    %dma_start3A_5 = tpu.memref_slice %arg6[%dma_start3A, %dma_start3A_3, %dma_start3A_4] : memref<2x256x128xf32, #tpu.memory_space<vmem>> -> memref<1x256x128xf32, #tpu.memory_space<vmem>>
    %dma_start3A_6 = tpu.memref_squeeze %dma_start3A_5 : memref<1x256x128xf32, #tpu.memory_space<vmem>> -> memref<256x128xf32, #tpu.memory_space<vmem>>
    %dma_start3A_7 = arith.constant 0 : i32
    %dma_start3A_8 = tpu.memref_slice %arg5[%dma_start3A_7] : memref<512xi32, #tpu.memory_space<vmem>> -> memref<256xi32, #tpu.memory_space<vmem>>
    %dma_start3A_9 = arith.constant 0 : i32
    %dma_start3A_10 = arith.constant 0 : i32
    %dma_start3A_11 = tpu.memref_slice %arg3[%dma_start3A_9, %dma_start3A_10] : memref<100000x128xf32, #tpu.memory_space<hbm>> -> memref<100000x128xf32, #tpu.memory_space<hbm>>
    tpu.enqueue_indirect_dma source(%dma_start3A_11 : memref<100000x128xf32, #tpu.memory_space<hbm>>) target(%dma_start3A_6 : memref<256x128xf32, #tpu.memory_space<vmem>>) offsets(%dma_start3A_8 : memref<256xi32, #tpu.memory_space<vmem>>) semaphore(%arg7 : memref<!tpu.dma_semaphore, #tpu.memory_space<semaphore_mem>>)
    %dma_start3A_12 = arith.constant 1 : i32
    %dma_start3A_13 = arith.constant 0 : i32
    %dma_start3A_14 = arith.constant 0 : i32
    %dma_start3A_15 = tpu.memref_slice %arg6[%dma_start3A_12, %dma_start3A_13, %dma_start3A_14] : memref<2x256x128xf32, #tpu.memory_space<vmem>> -> memref<1x256x128xf32, #tpu.memory_space<vmem>>
    %dma_start3A_16 = tpu.memref_squeeze %dma_start3A_15 : memref<1x256x128xf32, #tpu.memory_space<vmem>> -> memref<256x128xf32, #tpu.memory_space<vmem>>
    %dma_start3A_17 = arith.constant 256 : i32
    %dma_start3A_18 = tpu.memref_slice %arg5[%dma_start3A_17] : memref<512xi32, #tpu.memory_space<vmem>> -> memref<256xi32, #tpu.memory_space<vmem>>
    %dma_start3A_19 = arith.constant 0 : i32
    %dma_start3A_20 = arith.constant 0 : i32
    %dma_start3A_21 = tpu.memref_slice %arg3[%dma_start3A_19, %dma_start3A_20] : memref<100000x128xf32, #tpu.memory_space<hbm>> -> memref<100000x128xf32, #tpu.memory_space<hbm>>
    tpu.enqueue_indirect_dma source(%dma_start3A_21 : memref<100000x128xf32, #tpu.memory_space<hbm>>) target(%dma_start3A_16 : memref<256x128xf32, #tpu.memory_space<vmem>>) offsets(%dma_start3A_18 : memref<256xi32, #tpu.memory_space<vmem>>) semaphore(%arg8 : memref<!tpu.dma_semaphore, #tpu.memory_space<semaphore_mem>>)
    %dma_wait3A = arith.constant 0 : i32
    %dma_wait3A_22 = arith.constant 0 : i32
    %dma_wait3A_23 = arith.constant 0 : i32
    %dma_wait3A_24 = tpu.memref_slice %arg6[%dma_wait3A, %dma_wait3A_22, %dma_wait3A_23] : memref<2x256x128xf32, #tpu.memory_space<vmem>> -> memref<1x256x128xf32, #tpu.memory_space<vmem>>
    %dma_wait3A_25 = tpu.memref_squeeze %dma_wait3A_24 : memref<1x256x128xf32, #tpu.memory_space<vmem>> -> memref<256x128xf32, #tpu.memory_space<vmem>>
    %dma_wait3A_26 = arith.constant 0 : i32
    %dma_wait3A_27 = tpu.memref_slice %arg5[%dma_wait3A_26] : memref<512xi32, #tpu.memory_space<vmem>> -> memref<256xi32, #tpu.memory_space<vmem>>
    %dma_wait3A_28 = arith.constant 0 : i32
    %dma_wait3A_29 = arith.constant 0 : i32
    %dma_wait3A_30 = tpu.memref_slice %arg3[%dma_wait3A_28, %dma_wait3A_29] : memref<100000x128xf32, #tpu.memory_space<hbm>> -> memref<100000x128xf32, #tpu.memory_space<hbm>>
    tpu.wait_indirect_dma semaphore(%arg7 : memref<!tpu.dma_semaphore, #tpu.memory_space<semaphore_mem>>) src(%dma_wait3A_30 : memref<100000x128xf32, #tpu.memory_space<hbm>>) dst(%dma_wait3A_25 : memref<256x128xf32, #tpu.memory_space<vmem>>)
    %add3A_31 = arith.constant 0 : i32
    %add3A_32 = arith.addi %mul3A_2, %add3A_31 : i32
    %dma_start3A_33 = arith.constant 0 : i32
    %dma_start3A_34 = arith.constant 0 : i32
    %dma_start3A_35 = arith.constant 0 : i32
    %dma_start3A_36 = tpu.memref_slice %arg6[%dma_start3A_33, %dma_start3A_34, %dma_start3A_35] : memref<2x256x128xf32, #tpu.memory_space<vmem>> -> memref<1x256x128xf32, #tpu.memory_space<vmem>>
    %dma_start3A_37 = tpu.memref_squeeze %dma_start3A_36 : memref<1x256x128xf32, #tpu.memory_space<vmem>> -> memref<256x128xf32, #tpu.memory_space<vmem>>
    %dma_start3A_38 = arith.constant 0 : i32
    %dma_start3A_39 = tpu.memref_slice %arg4[%add3A_32, %dma_start3A_38] : memref<16384x128xf32, #tpu.memory_space<hbm>> -> memref<256x128xf32, #tpu.memory_space<hbm>>
    %dma_start3A_40 = arith.constant 0 : i32
    %dma_start3A_41 = tpu.memref_slice %arg4[%add3A_32, %dma_start3A_40] : memref<16384x128xf32, #tpu.memory_space<hbm>> -> memref<256x128xf32, #tpu.memory_space<hbm>>
    %dma_start3A_42 = arith.constant 0 : i32
    %dma_start3A_43 = arith.constant 0 : i32
    %dma_start3A_44 = tpu.memref_slice %arg6[%dma_start3A_33, %dma_start3A_42, %dma_start3A_43] : memref<2x256x128xf32, #tpu.memory_space<vmem>> -> memref<1x256x128xf32, #tpu.memory_space<vmem>>
    %dma_start3A_45 = tpu.memref_squeeze %dma_start3A_44 : memref<1x256x128xf32, #tpu.memory_space<vmem>> -> memref<256x128xf32, #tpu.memory_space<vmem>>
    tpu.enqueue_dma source(%dma_start3A_45 : memref<256x128xf32, #tpu.memory_space<vmem>>) target(%dma_start3A_41 : memref<256x128xf32, #tpu.memory_space<hbm>>) target_semaphore(%arg9 : memref<!tpu.dma_semaphore, #tpu.memory_space<semaphore_mem>>)
    %dma_wait3A_46 = arith.constant 1 : i32
    %dma_wait3A_47 = arith.constant 0 : i32
    %dma_wait3A_48 = arith.constant 0 : i32
    %dma_wait3A_49 = tpu.memref_slice %arg6[%dma_wait3A_46, %dma_wait3A_47, %dma_wait3A_48] : memref<2x256x128xf32, #tpu.memory_space<vmem>> -> memref<1x256x128xf32, #tpu.memory_space<vmem>>
    %dma_wait3A_50 = tpu.memref_squeeze %dma_wait3A_49 : memref<1x256x128xf32, #tpu.memory_space<vmem>> -> memref<256x128xf32, #tpu.memory_space<vmem>>
    %dma_wait3A_51 = arith.constant 256 : i32
    %dma_wait3A_52 = tpu.memref_slice %arg5[%dma_wait3A_51] : memref<512xi32, #tpu.memory_space<vmem>> -> memref<256xi32, #tpu.memory_space<vmem>>
    %dma_wait3A_53 = arith.constant 0 : i32
    %dma_wait3A_54 = arith.constant 0 : i32
    %dma_wait3A_55 = tpu.memref_slice %arg3[%dma_wait3A_53, %dma_wait3A_54] : memref<100000x128xf32, #tpu.memory_space<hbm>> -> memref<100000x128xf32, #tpu.memory_space<hbm>>
    tpu.wait_indirect_dma semaphore(%arg8 : memref<!tpu.dma_semaphore, #tpu.memory_space<semaphore_mem>>) src(%dma_wait3A_55 : memref<100000x128xf32, #tpu.memory_space<hbm>>) dst(%dma_wait3A_50 : memref<256x128xf32, #tpu.memory_space<vmem>>)
    %add3A_56 = arith.constant 256 : i32
    %add3A_57 = arith.addi %mul3A_2, %add3A_56 : i32
    %dma_start3A_58 = arith.constant 1 : i32
    %dma_start3A_59 = arith.constant 0 : i32
    %dma_start3A_60 = arith.constant 0 : i32
    %dma_start3A_61 = tpu.memref_slice %arg6[%dma_start3A_58, %dma_start3A_59, %dma_start3A_60] : memref<2x256x128xf32, #tpu.memory_space<vmem>> -> memref<1x256x128xf32, #tpu.memory_space<vmem>>
    %dma_start3A_62 = tpu.memref_squeeze %dma_start3A_61 : memref<1x256x128xf32, #tpu.memory_space<vmem>> -> memref<256x128xf32, #tpu.memory_space<vmem>>
    %dma_start3A_63 = arith.constant 0 : i32
    %dma_start3A_64 = tpu.memref_slice %arg4[%add3A_57, %dma_start3A_63] : memref<16384x128xf32, #tpu.memory_space<hbm>> -> memref<256x128xf32, #tpu.memory_space<hbm>>
    %dma_start3A_65 = arith.constant 0 : i32
    %dma_start3A_66 = tpu.memref_slice %arg4[%add3A_57, %dma_start3A_65] : memref<16384x128xf32, #tpu.memory_space<hbm>> -> memref<256x128xf32, #tpu.memory_space<hbm>>
    %dma_start3A_67 = arith.constant 0 : i32
    %dma_start3A_68 = arith.constant 0 : i32
    %dma_start3A_69 = tpu.memref_slice %arg6[%dma_start3A_58, %dma_start3A_67, %dma_start3A_68] : memref<2x256x128xf32, #tpu.memory_space<vmem>> -> memref<1x256x128xf32, #tpu.memory_space<vmem>>
    %dma_start3A_70 = tpu.memref_squeeze %dma_start3A_69 : memref<1x256x128xf32, #tpu.memory_space<vmem>> -> memref<256x128xf32, #tpu.memory_space<vmem>>
    tpu.enqueue_dma source(%dma_start3A_70 : memref<256x128xf32, #tpu.memory_space<vmem>>) target(%dma_start3A_66 : memref<256x128xf32, #tpu.memory_space<hbm>>) target_semaphore(%arg10 : memref<!tpu.dma_semaphore, #tpu.memory_space<semaphore_mem>>)
    %add3A_71 = arith.constant 0 : i32
    %add3A_72 = arith.addi %mul3A_2, %add3A_71 : i32
    %dma_wait3A_73 = arith.constant 0 : i32
    %dma_wait3A_74 = arith.constant 0 : i32
    %dma_wait3A_75 = arith.constant 0 : i32
    %dma_wait3A_76 = tpu.memref_slice %arg6[%dma_wait3A_73, %dma_wait3A_74, %dma_wait3A_75] : memref<2x256x128xf32, #tpu.memory_space<vmem>> -> memref<1x256x128xf32, #tpu.memory_space<vmem>>
    %dma_wait3A_77 = tpu.memref_squeeze %dma_wait3A_76 : memref<1x256x128xf32, #tpu.memory_space<vmem>> -> memref<256x128xf32, #tpu.memory_space<vmem>>
    %dma_wait3A_78 = arith.constant 0 : i32
    %dma_wait3A_79 = tpu.memref_slice %arg4[%add3A_72, %dma_wait3A_78] : memref<16384x128xf32, #tpu.memory_space<hbm>> -> memref<256x128xf32, #tpu.memory_space<hbm>>
    %dma_wait3A_80 = arith.constant 0 : i32
    %dma_wait3A_81 = tpu.memref_slice %arg4[%add3A_72, %dma_wait3A_80] : memref<16384x128xf32, #tpu.memory_space<hbm>> -> memref<256x128xf32, #tpu.memory_space<hbm>>
    %dma_wait3A_82 = arith.constant 0 : i32
    %dma_wait3A_83 = arith.constant 0 : i32
    %dma_wait3A_84 = tpu.memref_slice %arg6[%dma_wait3A_73, %dma_wait3A_82, %dma_wait3A_83] : memref<2x256x128xf32, #tpu.memory_space<vmem>> -> memref<1x256x128xf32, #tpu.memory_space<vmem>>
    %dma_wait3A_85 = tpu.memref_squeeze %dma_wait3A_84 : memref<1x256x128xf32, #tpu.memory_space<vmem>> -> memref<256x128xf32, #tpu.memory_space<vmem>>
    tpu.wait_dma2 semaphore(%arg9 : memref<!tpu.dma_semaphore, #tpu.memory_space<semaphore_mem>>) src(%dma_wait3A_85 : memref<256x128xf32, #tpu.memory_space<vmem>>) dst(%dma_wait3A_81 : memref<256x128xf32, #tpu.memory_space<hbm>>)
    %add3A_86 = arith.constant 256 : i32
    %add3A_87 = arith.addi %mul3A_2, %add3A_86 : i32
    %dma_wait3A_88 = arith.constant 1 : i32
    %dma_wait3A_89 = arith.constant 0 : i32
    %dma_wait3A_90 = arith.constant 0 : i32
    %dma_wait3A_91 = tpu.memref_slice %arg6[%dma_wait3A_88, %dma_wait3A_89, %dma_wait3A_90] : memref<2x256x128xf32, #tpu.memory_space<vmem>> -> memref<1x256x128xf32, #tpu.memory_space<vmem>>
    %dma_wait3A_92 = tpu.memref_squeeze %dma_wait3A_91 : memref<1x256x128xf32, #tpu.memory_space<vmem>> -> memref<256x128xf32, #tpu.memory_space<vmem>>
    %dma_wait3A_93 = arith.constant 0 : i32
    %dma_wait3A_94 = tpu.memref_slice %arg4[%add3A_87, %dma_wait3A_93] : memref<16384x128xf32, #tpu.memory_space<hbm>> -> memref<256x128xf32, #tpu.memory_space<hbm>>
    %dma_wait3A_95 = arith.constant 0 : i32
    %dma_wait3A_96 = tpu.memref_slice %arg4[%add3A_87, %dma_wait3A_95] : memref<16384x128xf32, #tpu.memory_space<hbm>> -> memref<256x128xf32, #tpu.memory_space<hbm>>
    %dma_wait3A_97 = arith.constant 0 : i32
    %dma_wait3A_98 = arith.constant 0 : i32
    %dma_wait3A_99 = tpu.memref_slice %arg6[%dma_wait3A_88, %dma_wait3A_97, %dma_wait3A_98] : memref<2x256x128xf32, #tpu.memory_space<vmem>> -> memref<1x256x128xf32, #tpu.memory_space<vmem>>
    %dma_wait3A_100 = tpu.memref_squeeze %dma_wait3A_99 : memref<1x256x128xf32, #tpu.memory_space<vmem>> -> memref<256x128xf32, #tpu.memory_space<vmem>>
    tpu.wait_dma2 semaphore(%arg10 : memref<!tpu.dma_semaphore, #tpu.memory_space<semaphore_mem>>) src(%dma_wait3A_100 : memref<256x128xf32, #tpu.memory_space<vmem>>) dst(%dma_wait3A_96 : memref<256x128xf32, #tpu.memory_space<hbm>>)
    return
  }
}

module attributes {stable_mosaic.version = 14 : i64} {
  func.func @body(%arg0: i32, %arg1: memref<8x1024x128xf32, #tpu.memory_space<vmem>>, %arg2: memref<128x384xf32, #tpu.memory_space<vmem>>, %arg3: memref<128x384xf32, #tpu.memory_space<vmem>>, %arg4: memref<1x384xf32, #tpu.memory_space<vmem>>, %arg5: memref<1x384xf32, #tpu.memory_space<vmem>>, %arg6: memref<1024x8x128xf32, #tpu.memory_space<vmem>>, %arg7: memref<1024x128xf32, #tpu.memory_space<vmem>>, %arg8: memref<1024x128xf32, #tpu.memory_space<vmem>>) attributes {dimension_semantics = [#tpu.dimension_semantics<arbitrary>], iteration_bounds = array<i64: 2>, scalar_prefetch = 0 : i64, scratch_operands = 1 : i64, tpu.core_type = #tpu.core_type<tc>, window_params = [{transform_indices = @transform_0, window_bounds = array<i64: 8, 1024, 128>}, {pipeline_mode = #tpu.pipeline_mode<synchronous>, transform_indices = @transform_1, window_bounds = array<i64: 128, 384>}, {pipeline_mode = #tpu.pipeline_mode<synchronous>, transform_indices = @transform_2, window_bounds = array<i64: 128, 384>}, {pipeline_mode = #tpu.pipeline_mode<synchronous>, transform_indices = @transform_3, window_bounds = array<i64: 1, 384>}, {pipeline_mode = #tpu.pipeline_mode<synchronous>, transform_indices = @transform_4, window_bounds = array<i64: 1, 384>}, {transform_indices = @transform_5, window_bounds = array<i64: 1024, 8, 128>}, {pipeline_mode = #tpu.pipeline_mode<synchronous>, transform_indices = @transform_6, window_bounds = array<i64: 1024, 128>}]} {
    %eq3A = arith.constant 0 : i32
    %eq3A_0 = arith.cmpi eq, %arg0, %eq3A : i32
    %convert_element_type3A = arith.extui %eq3A_0 : i1 to i32
    %cond3A = arith.constant 0 : i32
    %cond3A_1 = arith.cmpi ne, %convert_element_type3A, %cond3A : i32
    scf.if %cond3A_1 {
      %broadcast_in_dim3A = arith.constant 0.000000e+00 : f32
      %broadcast_in_dim3A_484 = vector.broadcast %broadcast_in_dim3A : f32 to vector<1024x128xf32>
      %swap3A_485 = arith.constant 0 : index
      %swap3A_486 = arith.constant 0 : index
      %swap3A_487 = vector.load %arg8[%swap3A_485, %swap3A_486] : memref<1024x128xf32, #tpu.memory_space<vmem>>, vector<1024x128xf32>
      tpu.vector_store %arg8[%swap3A_485, %swap3A_486], %broadcast_in_dim3A_484 {strides = array<i32>} : memref<1024x128xf32, #tpu.memory_space<vmem>>, vector<1024x128xf32>,
    } else {
    }
    %get3A = arith.constant 0 : index
    %get3A_2 = arith.constant 0 : index
    %get3A_3 = vector.load %arg8[%get3A, %get3A_2] : memref<1024x128xf32, #tpu.memory_space<vmem>>, vector<1024x128xf32>
    %get3A_4 = arith.constant 0 : index
    %get3A_5 = arith.constant 0 : index
    %get3A_6 = arith.constant 0 : index
    %get3A_7 = vector.load %arg1[%get3A_4, %get3A_5, %get3A_6] : memref<8x1024x128xf32, #tpu.memory_space<vmem>>, vector<1x1024x128xf32>
    %get3A_8 = vector.shape_cast %get3A_7 : vector<1x1024x128xf32> to vector<1024x128xf32>
    %get3A_9 = arith.constant 0 : index
    %get3A_10 = arith.constant 0 : index
    %get3A_11 = vector.load %arg2[%get3A_9, %get3A_10] : memref<128x384xf32, #tpu.memory_space<vmem>>, vector<128x384xf32>
    %get3A_12 = arith.constant 0 : index
    %get3A_13 = arith.constant 0 : index
    %get3A_14 = vector.load %arg3[%get3A_12, %get3A_13] : memref<128x384xf32, #tpu.memory_space<vmem>>, vector<128x384xf32>
    %get3A_15 = arith.constant 0 : index
    %get3A_16 = arith.constant 0 : index
    %get3A_17 = vector.load %arg4[%get3A_15, %get3A_16] : memref<1x384xf32, #tpu.memory_space<vmem>>, vector<1x384xf32>
    %get3A_18 = arith.constant 0 : index
    %get3A_19 = arith.constant 0 : index
    %get3A_20 = vector.load %arg5[%get3A_18, %get3A_19] : memref<1x384xf32, #tpu.memory_space<vmem>>, vector<1x384xf32>
    %dot_general3A = arith.constant dense<0.000000e+00> : vector<1024x384xf32>
    %dot_general3A_21 = tpu.matmul %get3A_8, %get3A_11, %dot_general3A {dimension_numbers = #tpu.dot_dimension_numbers<[1], [0], [0], [1], [0, 0, 1, 1], [], []>, transpose_lhs_hint = false} : vector<1024x128xf32>, vector<128x384xf32>, vector<1024x384xf32> -> vector<1024x384xf32>
    %add3A = vector.broadcast %get3A_17 : vector<1x384xf32> to vector<1024x384xf32>
    %add3A_22 = arith.addf %dot_general3A_21, %add3A : vector<1024x384xf32>
    %dot_general3A_23 = arith.constant dense<0.000000e+00> : vector<1024x384xf32>
    %dot_general3A_24 = tpu.matmul %get3A_3, %get3A_14, %dot_general3A_23 {dimension_numbers = #tpu.dot_dimension_numbers<[1], [0], [0], [1], [0, 0, 1, 1], [], []>, transpose_lhs_hint = false} : vector<1024x128xf32>, vector<128x384xf32>, vector<1024x384xf32> -> vector<1024x384xf32>
    %add3A_25 = vector.broadcast %get3A_20 : vector<1x384xf32> to vector<1024x384xf32>
    %add3A_26 = arith.addf %dot_general3A_24, %add3A_25 : vector<1024x384xf32>
    %slice3A = vector.extract_strided_slice %add3A_22 {offsets = [0, 0], sizes = [1024, 128], strides = [1, 1]} : vector<1024x384xf32> to vector<1024x128xf32>
    %slice3A_27 = vector.extract_strided_slice %add3A_26 {offsets = [0, 0], sizes = [1024, 128], strides = [1, 1]} : vector<1024x384xf32> to vector<1024x128xf32>
    %add3A_28 = arith.addf %slice3A, %slice3A_27 : vector<1024x128xf32>
    %logistic3A = arith.negf %add3A_28 : vector<1024x128xf32>
    %logistic3A_29 = math.exp %logistic3A : vector<1024x128xf32>
    %logistic3A_30 = arith.constant 1.000000e+00 : f32
    %logistic3A_31 = vector.broadcast %logistic3A_30 : f32 to vector<1024x128xf32>
    %logistic3A_32 = arith.addf %logistic3A_31, %logistic3A_29 : vector<1024x128xf32>
    %logistic3A_33 = arith.divf %logistic3A_31, %logistic3A_32 : vector<1024x128xf32>
    %slice3A_34 = vector.extract_strided_slice %add3A_22 {offsets = [0, 128], sizes = [1024, 128], strides = [1, 1]} : vector<1024x384xf32> to vector<1024x128xf32>
    %slice3A_35 = vector.extract_strided_slice %add3A_26 {offsets = [0, 128], sizes = [1024, 128], strides = [1, 1]} : vector<1024x384xf32> to vector<1024x128xf32>
    %add3A_36 = arith.addf %slice3A_34, %slice3A_35 : vector<1024x128xf32>
    %logistic3A_37 = arith.negf %add3A_36 : vector<1024x128xf32>
    %logistic3A_38 = math.exp %logistic3A_37 : vector<1024x128xf32>
    %logistic3A_39 = arith.constant 1.000000e+00 : f32
    %logistic3A_40 = vector.broadcast %logistic3A_39 : f32 to vector<1024x128xf32>
    %logistic3A_41 = arith.addf %logistic3A_40, %logistic3A_38 : vector<1024x128xf32>
    %logistic3A_42 = arith.divf %logistic3A_40, %logistic3A_41 : vector<1024x128xf32>
    %slice3A_43 = vector.extract_strided_slice %add3A_22 {offsets = [0, 256], sizes = [1024, 128], strides = [1, 1]} : vector<1024x384xf32> to vector<1024x128xf32>
    %slice3A_44 = vector.extract_strided_slice %add3A_26 {offsets = [0, 256], sizes = [1024, 128], strides = [1, 1]} : vector<1024x384xf32> to vector<1024x128xf32>
    %mul3A = arith.mulf %logistic3A_33, %slice3A_44 : vector<1024x128xf32>
    %add3A_45 = arith.addf %slice3A_43, %mul3A : vector<1024x128xf32>
    %tanh3A = math.tanh %add3A_45 : vector<1024x128xf32>
    %sub3A = arith.constant 1.000000e+00 : f32
    %sub3A_46 = vector.broadcast %sub3A : f32 to vector<1024x128xf32>
    %sub3A_47 = arith.subf %sub3A_46, %logistic3A_42 : vector<1024x128xf32>
    %mul3A_48 = arith.mulf %sub3A_47, %tanh3A : vector<1024x128xf32>
    %mul3A_49 = arith.mulf %logistic3A_42, %get3A_3 : vector<1024x128xf32>
    %add3A_50 = arith.addf %mul3A_48, %mul3A_49 : vector<1024x128xf32>
    %swap3A = arith.constant 0 : index
    %swap3A_51 = arith.constant 0 : index
    %swap3A_52 = arith.constant 0 : index
    %swap3A_53 = vector.load %arg6[%swap3A, %swap3A_51, %swap3A_52] : memref<1024x8x128xf32, #tpu.memory_space<vmem>>, vector<1024x1x128xf32>
    %swap3A_54 = vector.shape_cast %swap3A_53 : vector<1024x1x128xf32> to vector<1024x128xf32>
    %swap3A_55 = vector.shape_cast %add3A_50 : vector<1024x128xf32> to vector<1024x1x128xf32>
    tpu.vector_store %arg6[%swap3A, %swap3A_51, %swap3A_52], %swap3A_55 {strides = array<i32>} : memref<1024x8x128xf32, #tpu.memory_space<vmem>>, vector<1024x1x128xf32>,
    %get3A_56 = arith.constant 1 : index
    %get3A_57 = arith.constant 0 : index
    %get3A_58 = arith.constant 0 : index
    %get3A_59 = vector.load %arg1[%get3A_56, %get3A_57, %get3A_58] : memref<8x1024x128xf32, #tpu.memory_space<vmem>>, vector<1x1024x128xf32>
    %get3A_60 = vector.shape_cast %get3A_59 : vector<1x1024x128xf32> to vector<1024x128xf32>
    %get3A_61 = arith.constant 0 : index
    %get3A_62 = arith.constant 0 : index
    %get3A_63 = vector.load %arg2[%get3A_61, %get3A_62] : memref<128x384xf32, #tpu.memory_space<vmem>>, vector<128x384xf32>
    %get3A_64 = arith.constant 0 : index
    %get3A_65 = arith.constant 0 : index
    %get3A_66 = vector.load %arg3[%get3A_64, %get3A_65] : memref<128x384xf32, #tpu.memory_space<vmem>>, vector<128x384xf32>
    %get3A_67 = arith.constant 0 : index
    %get3A_68 = arith.constant 0 : index
    %get3A_69 = vector.load %arg4[%get3A_67, %get3A_68] : memref<1x384xf32, #tpu.memory_space<vmem>>, vector<1x384xf32>
    %get3A_70 = arith.constant 0 : index
    %get3A_71 = arith.constant 0 : index
    %get3A_72 = vector.load %arg5[%get3A_70, %get3A_71] : memref<1x384xf32, #tpu.memory_space<vmem>>, vector<1x384xf32>
    %dot_general3A_73 = arith.constant dense<0.000000e+00> : vector<1024x384xf32>
    %dot_general3A_74 = tpu.matmul %get3A_60, %get3A_63, %dot_general3A_73 {dimension_numbers = #tpu.dot_dimension_numbers<[1], [0], [0], [1], [0, 0, 1, 1], [], []>, transpose_lhs_hint = false} : vector<1024x128xf32>, vector<128x384xf32>, vector<1024x384xf32> -> vector<1024x384xf32>
    %add3A_75 = vector.broadcast %get3A_69 : vector<1x384xf32> to vector<1024x384xf32>
    %add3A_76 = arith.addf %dot_general3A_74, %add3A_75 : vector<1024x384xf32>
    %dot_general3A_77 = arith.constant dense<0.000000e+00> : vector<1024x384xf32>
    %dot_general3A_78 = tpu.matmul %add3A_50, %get3A_66, %dot_general3A_77 {dimension_numbers = #tpu.dot_dimension_numbers<[1], [0], [0], [1], [0, 0, 1, 1], [], []>, transpose_lhs_hint = false} : vector<1024x128xf32>, vector<128x384xf32>, vector<1024x384xf32> -> vector<1024x384xf32>
    %add3A_79 = vector.broadcast %get3A_72 : vector<1x384xf32> to vector<1024x384xf32>
    %add3A_80 = arith.addf %dot_general3A_78, %add3A_79 : vector<1024x384xf32>
    %slice3A_81 = vector.extract_strided_slice %add3A_76 {offsets = [0, 0], sizes = [1024, 128], strides = [1, 1]} : vector<1024x384xf32> to vector<1024x128xf32>
    %slice3A_82 = vector.extract_strided_slice %add3A_80 {offsets = [0, 0], sizes = [1024, 128], strides = [1, 1]} : vector<1024x384xf32> to vector<1024x128xf32>
    %add3A_83 = arith.addf %slice3A_81, %slice3A_82 : vector<1024x128xf32>
    %logistic3A_84 = arith.negf %add3A_83 : vector<1024x128xf32>
    %logistic3A_85 = math.exp %logistic3A_84 : vector<1024x128xf32>
    %logistic3A_86 = arith.constant 1.000000e+00 : f32
    %logistic3A_87 = vector.broadcast %logistic3A_86 : f32 to vector<1024x128xf32>
    %logistic3A_88 = arith.addf %logistic3A_87, %logistic3A_85 : vector<1024x128xf32>
    %logistic3A_89 = arith.divf %logistic3A_87, %logistic3A_88 : vector<1024x128xf32>
    %slice3A_90 = vector.extract_strided_slice %add3A_76 {offsets = [0, 128], sizes = [1024, 128], strides = [1, 1]} : vector<1024x384xf32> to vector<1024x128xf32>
    %slice3A_91 = vector.extract_strided_slice %add3A_80 {offsets = [0, 128], sizes = [1024, 128], strides = [1, 1]} : vector<1024x384xf32> to vector<1024x128xf32>
    %add3A_92 = arith.addf %slice3A_90, %slice3A_91 : vector<1024x128xf32>
    %logistic3A_93 = arith.negf %add3A_92 : vector<1024x128xf32>
    %logistic3A_94 = math.exp %logistic3A_93 : vector<1024x128xf32>
    %logistic3A_95 = arith.constant 1.000000e+00 : f32
    %logistic3A_96 = vector.broadcast %logistic3A_95 : f32 to vector<1024x128xf32>
    %logistic3A_97 = arith.addf %logistic3A_96, %logistic3A_94 : vector<1024x128xf32>
    %logistic3A_98 = arith.divf %logistic3A_96, %logistic3A_97 : vector<1024x128xf32>
    %slice3A_99 = vector.extract_strided_slice %add3A_76 {offsets = [0, 256], sizes = [1024, 128], strides = [1, 1]} : vector<1024x384xf32> to vector<1024x128xf32>
    %slice3A_100 = vector.extract_strided_slice %add3A_80 {offsets = [0, 256], sizes = [1024, 128], strides = [1, 1]} : vector<1024x384xf32> to vector<1024x128xf32>
    %mul3A_101 = arith.mulf %logistic3A_89, %slice3A_100 : vector<1024x128xf32>
    %add3A_102 = arith.addf %slice3A_99, %mul3A_101 : vector<1024x128xf32>
    %tanh3A_103 = math.tanh %add3A_102 : vector<1024x128xf32>
    %sub3A_104 = arith.constant 1.000000e+00 : f32
    %sub3A_105 = vector.broadcast %sub3A_104 : f32 to vector<1024x128xf32>
    %sub3A_106 = arith.subf %sub3A_105, %logistic3A_98 : vector<1024x128xf32>
    %mul3A_107 = arith.mulf %sub3A_106, %tanh3A_103 : vector<1024x128xf32>
    %mul3A_108 = arith.mulf %logistic3A_98, %add3A_50 : vector<1024x128xf32>
    %add3A_109 = arith.addf %mul3A_107, %mul3A_108 : vector<1024x128xf32>
    %swap3A_110 = arith.constant 0 : index
    %swap3A_111 = arith.constant 1 : index
    %swap3A_112 = arith.constant 0 : index
    %swap3A_113 = vector.load %arg6[%swap3A_110, %swap3A_111, %swap3A_112] : memref<1024x8x128xf32, #tpu.memory_space<vmem>>, vector<1024x1x128xf32>
    %swap3A_114 = vector.shape_cast %swap3A_113 : vector<1024x1x128xf32> to vector<1024x128xf32>
    %swap3A_115 = vector.shape_cast %add3A_109 : vector<1024x128xf32> to vector<1024x1x128xf32>
    tpu.vector_store %arg6[%swap3A_110, %swap3A_111, %swap3A_112], %swap3A_115 {strides = array<i32>} : memref<1024x8x128xf32, #tpu.memory_space<vmem>>, vector<1024x1x128xf32>,
    %get3A_116 = arith.constant 2 : index
    %get3A_117 = arith.constant 0 : index
    %get3A_118 = arith.constant 0 : index
    %get3A_119 = vector.load %arg1[%get3A_116, %get3A_117, %get3A_118] : memref<8x1024x128xf32, #tpu.memory_space<vmem>>, vector<1x1024x128xf32>
    %get3A_120 = vector.shape_cast %get3A_119 : vector<1x1024x128xf32> to vector<1024x128xf32>
    %get3A_121 = arith.constant 0 : index
    %get3A_122 = arith.constant 0 : index
    %get3A_123 = vector.load %arg2[%get3A_121, %get3A_122] : memref<128x384xf32, #tpu.memory_space<vmem>>, vector<128x384xf32>
    %get3A_124 = arith.constant 0 : index
    %get3A_125 = arith.constant 0 : index
    %get3A_126 = vector.load %arg3[%get3A_124, %get3A_125] : memref<128x384xf32, #tpu.memory_space<vmem>>, vector<128x384xf32>
    %get3A_127 = arith.constant 0 : index
    %get3A_128 = arith.constant 0 : index
    %get3A_129 = vector.load %arg4[%get3A_127, %get3A_128] : memref<1x384xf32, #tpu.memory_space<vmem>>, vector<1x384xf32>
    %get3A_130 = arith.constant 0 : index
    %get3A_131 = arith.constant 0 : index
    %get3A_132 = vector.load %arg5[%get3A_130, %get3A_131] : memref<1x384xf32, #tpu.memory_space<vmem>>, vector<1x384xf32>
    %dot_general3A_133 = arith.constant dense<0.000000e+00> : vector<1024x384xf32>
    %dot_general3A_134 = tpu.matmul %get3A_120, %get3A_123, %dot_general3A_133 {dimension_numbers = #tpu.dot_dimension_numbers<[1], [0], [0], [1], [0, 0, 1, 1], [], []>, transpose_lhs_hint = false} : vector<1024x128xf32>, vector<128x384xf32>, vector<1024x384xf32> -> vector<1024x384xf32>
    %add3A_135 = vector.broadcast %get3A_129 : vector<1x384xf32> to vector<1024x384xf32>
    %add3A_136 = arith.addf %dot_general3A_134, %add3A_135 : vector<1024x384xf32>
    %dot_general3A_137 = arith.constant dense<0.000000e+00> : vector<1024x384xf32>
    %dot_general3A_138 = tpu.matmul %add3A_109, %get3A_126, %dot_general3A_137 {dimension_numbers = #tpu.dot_dimension_numbers<[1], [0], [0], [1], [0, 0, 1, 1], [], []>, transpose_lhs_hint = false} : vector<1024x128xf32>, vector<128x384xf32>, vector<1024x384xf32> -> vector<1024x384xf32>
    %add3A_139 = vector.broadcast %get3A_132 : vector<1x384xf32> to vector<1024x384xf32>
    %add3A_140 = arith.addf %dot_general3A_138, %add3A_139 : vector<1024x384xf32>
    %slice3A_141 = vector.extract_strided_slice %add3A_136 {offsets = [0, 0], sizes = [1024, 128], strides = [1, 1]} : vector<1024x384xf32> to vector<1024x128xf32>
    %slice3A_142 = vector.extract_strided_slice %add3A_140 {offsets = [0, 0], sizes = [1024, 128], strides = [1, 1]} : vector<1024x384xf32> to vector<1024x128xf32>
    %add3A_143 = arith.addf %slice3A_141, %slice3A_142 : vector<1024x128xf32>
    %logistic3A_144 = arith.negf %add3A_143 : vector<1024x128xf32>
    %logistic3A_145 = math.exp %logistic3A_144 : vector<1024x128xf32>
    %logistic3A_146 = arith.constant 1.000000e+00 : f32
    %logistic3A_147 = vector.broadcast %logistic3A_146 : f32 to vector<1024x128xf32>
    %logistic3A_148 = arith.addf %logistic3A_147, %logistic3A_145 : vector<1024x128xf32>
    %logistic3A_149 = arith.divf %logistic3A_147, %logistic3A_148 : vector<1024x128xf32>
    %slice3A_150 = vector.extract_strided_slice %add3A_136 {offsets = [0, 128], sizes = [1024, 128], strides = [1, 1]} : vector<1024x384xf32> to vector<1024x128xf32>
    %slice3A_151 = vector.extract_strided_slice %add3A_140 {offsets = [0, 128], sizes = [1024, 128], strides = [1, 1]} : vector<1024x384xf32> to vector<1024x128xf32>
    %add3A_152 = arith.addf %slice3A_150, %slice3A_151 : vector<1024x128xf32>
    %logistic3A_153 = arith.negf %add3A_152 : vector<1024x128xf32>
    %logistic3A_154 = math.exp %logistic3A_153 : vector<1024x128xf32>
    %logistic3A_155 = arith.constant 1.000000e+00 : f32
    %logistic3A_156 = vector.broadcast %logistic3A_155 : f32 to vector<1024x128xf32>
    %logistic3A_157 = arith.addf %logistic3A_156, %logistic3A_154 : vector<1024x128xf32>
    %logistic3A_158 = arith.divf %logistic3A_156, %logistic3A_157 : vector<1024x128xf32>
    %slice3A_159 = vector.extract_strided_slice %add3A_136 {offsets = [0, 256], sizes = [1024, 128], strides = [1, 1]} : vector<1024x384xf32> to vector<1024x128xf32>
    %slice3A_160 = vector.extract_strided_slice %add3A_140 {offsets = [0, 256], sizes = [1024, 128], strides = [1, 1]} : vector<1024x384xf32> to vector<1024x128xf32>
    %mul3A_161 = arith.mulf %logistic3A_149, %slice3A_160 : vector<1024x128xf32>
    %add3A_162 = arith.addf %slice3A_159, %mul3A_161 : vector<1024x128xf32>
    %tanh3A_163 = math.tanh %add3A_162 : vector<1024x128xf32>
    %sub3A_164 = arith.constant 1.000000e+00 : f32
    %sub3A_165 = vector.broadcast %sub3A_164 : f32 to vector<1024x128xf32>
    %sub3A_166 = arith.subf %sub3A_165, %logistic3A_158 : vector<1024x128xf32>
    %mul3A_167 = arith.mulf %sub3A_166, %tanh3A_163 : vector<1024x128xf32>
    %mul3A_168 = arith.mulf %logistic3A_158, %add3A_109 : vector<1024x128xf32>
    %add3A_169 = arith.addf %mul3A_167, %mul3A_168 : vector<1024x128xf32>
    %swap3A_170 = arith.constant 0 : index
    %swap3A_171 = arith.constant 2 : index
    %swap3A_172 = arith.constant 0 : index
    %swap3A_173 = vector.load %arg6[%swap3A_170, %swap3A_171, %swap3A_172] : memref<1024x8x128xf32, #tpu.memory_space<vmem>>, vector<1024x1x128xf32>
    %swap3A_174 = vector.shape_cast %swap3A_173 : vector<1024x1x128xf32> to vector<1024x128xf32>
    %swap3A_175 = vector.shape_cast %add3A_169 : vector<1024x128xf32> to vector<1024x1x128xf32>
    tpu.vector_store %arg6[%swap3A_170, %swap3A_171, %swap3A_172], %swap3A_175 {strides = array<i32>} : memref<1024x8x128xf32, #tpu.memory_space<vmem>>, vector<1024x1x128xf32>,
    %get3A_176 = arith.constant 3 : index
    %get3A_177 = arith.constant 0 : index
    %get3A_178 = arith.constant 0 : index
    %get3A_179 = vector.load %arg1[%get3A_176, %get3A_177, %get3A_178] : memref<8x1024x128xf32, #tpu.memory_space<vmem>>, vector<1x1024x128xf32>
    %get3A_180 = vector.shape_cast %get3A_179 : vector<1x1024x128xf32> to vector<1024x128xf32>
    %get3A_181 = arith.constant 0 : index
    %get3A_182 = arith.constant 0 : index
    %get3A_183 = vector.load %arg2[%get3A_181, %get3A_182] : memref<128x384xf32, #tpu.memory_space<vmem>>, vector<128x384xf32>
    %get3A_184 = arith.constant 0 : index
    %get3A_185 = arith.constant 0 : index
    %get3A_186 = vector.load %arg3[%get3A_184, %get3A_185] : memref<128x384xf32, #tpu.memory_space<vmem>>, vector<128x384xf32>
    %get3A_187 = arith.constant 0 : index
    %get3A_188 = arith.constant 0 : index
    %get3A_189 = vector.load %arg4[%get3A_187, %get3A_188] : memref<1x384xf32, #tpu.memory_space<vmem>>, vector<1x384xf32>
    %get3A_190 = arith.constant 0 : index
    %get3A_191 = arith.constant 0 : index
    %get3A_192 = vector.load %arg5[%get3A_190, %get3A_191] : memref<1x384xf32, #tpu.memory_space<vmem>>, vector<1x384xf32>
    %dot_general3A_193 = arith.constant dense<0.000000e+00> : vector<1024x384xf32>
    %dot_general3A_194 = tpu.matmul %get3A_180, %get3A_183, %dot_general3A_193 {dimension_numbers = #tpu.dot_dimension_numbers<[1], [0], [0], [1], [0, 0, 1, 1], [], []>, transpose_lhs_hint = false} : vector<1024x128xf32>, vector<128x384xf32>, vector<1024x384xf32> -> vector<1024x384xf32>
    %add3A_195 = vector.broadcast %get3A_189 : vector<1x384xf32> to vector<1024x384xf32>
    %add3A_196 = arith.addf %dot_general3A_194, %add3A_195 : vector<1024x384xf32>
    %dot_general3A_197 = arith.constant dense<0.000000e+00> : vector<1024x384xf32>
    %dot_general3A_198 = tpu.matmul %add3A_169, %get3A_186, %dot_general3A_197 {dimension_numbers = #tpu.dot_dimension_numbers<[1], [0], [0], [1], [0, 0, 1, 1], [], []>, transpose_lhs_hint = false} : vector<1024x128xf32>, vector<128x384xf32>, vector<1024x384xf32> -> vector<1024x384xf32>
    %add3A_199 = vector.broadcast %get3A_192 : vector<1x384xf32> to vector<1024x384xf32>
    %add3A_200 = arith.addf %dot_general3A_198, %add3A_199 : vector<1024x384xf32>
    %slice3A_201 = vector.extract_strided_slice %add3A_196 {offsets = [0, 0], sizes = [1024, 128], strides = [1, 1]} : vector<1024x384xf32> to vector<1024x128xf32>
    %slice3A_202 = vector.extract_strided_slice %add3A_200 {offsets = [0, 0], sizes = [1024, 128], strides = [1, 1]} : vector<1024x384xf32> to vector<1024x128xf32>
    %add3A_203 = arith.addf %slice3A_201, %slice3A_202 : vector<1024x128xf32>
    %logistic3A_204 = arith.negf %add3A_203 : vector<1024x128xf32>
    %logistic3A_205 = math.exp %logistic3A_204 : vector<1024x128xf32>
    %logistic3A_206 = arith.constant 1.000000e+00 : f32
    %logistic3A_207 = vector.broadcast %logistic3A_206 : f32 to vector<1024x128xf32>
    %logistic3A_208 = arith.addf %logistic3A_207, %logistic3A_205 : vector<1024x128xf32>
    %logistic3A_209 = arith.divf %logistic3A_207, %logistic3A_208 : vector<1024x128xf32>
    %slice3A_210 = vector.extract_strided_slice %add3A_196 {offsets = [0, 128], sizes = [1024, 128], strides = [1, 1]} : vector<1024x384xf32> to vector<1024x128xf32>
    %slice3A_211 = vector.extract_strided_slice %add3A_200 {offsets = [0, 128], sizes = [1024, 128], strides = [1, 1]} : vector<1024x384xf32> to vector<1024x128xf32>
    %add3A_212 = arith.addf %slice3A_210, %slice3A_211 : vector<1024x128xf32>
    %logistic3A_213 = arith.negf %add3A_212 : vector<1024x128xf32>
    %logistic3A_214 = math.exp %logistic3A_213 : vector<1024x128xf32>
    %logistic3A_215 = arith.constant 1.000000e+00 : f32
    %logistic3A_216 = vector.broadcast %logistic3A_215 : f32 to vector<1024x128xf32>
    %logistic3A_217 = arith.addf %logistic3A_216, %logistic3A_214 : vector<1024x128xf32>
    %logistic3A_218 = arith.divf %logistic3A_216, %logistic3A_217 : vector<1024x128xf32>
    %slice3A_219 = vector.extract_strided_slice %add3A_196 {offsets = [0, 256], sizes = [1024, 128], strides = [1, 1]} : vector<1024x384xf32> to vector<1024x128xf32>
    %slice3A_220 = vector.extract_strided_slice %add3A_200 {offsets = [0, 256], sizes = [1024, 128], strides = [1, 1]} : vector<1024x384xf32> to vector<1024x128xf32>
    %mul3A_221 = arith.mulf %logistic3A_209, %slice3A_220 : vector<1024x128xf32>
    %add3A_222 = arith.addf %slice3A_219, %mul3A_221 : vector<1024x128xf32>
    %tanh3A_223 = math.tanh %add3A_222 : vector<1024x128xf32>
    %sub3A_224 = arith.constant 1.000000e+00 : f32
    %sub3A_225 = vector.broadcast %sub3A_224 : f32 to vector<1024x128xf32>
    %sub3A_226 = arith.subf %sub3A_225, %logistic3A_218 : vector<1024x128xf32>
    %mul3A_227 = arith.mulf %sub3A_226, %tanh3A_223 : vector<1024x128xf32>
    %mul3A_228 = arith.mulf %logistic3A_218, %add3A_169 : vector<1024x128xf32>
    %add3A_229 = arith.addf %mul3A_227, %mul3A_228 : vector<1024x128xf32>
    %swap3A_230 = arith.constant 0 : index
    %swap3A_231 = arith.constant 3 : index
    %swap3A_232 = arith.constant 0 : index
    %swap3A_233 = vector.load %arg6[%swap3A_230, %swap3A_231, %swap3A_232] : memref<1024x8x128xf32, #tpu.memory_space<vmem>>, vector<1024x1x128xf32>
    %swap3A_234 = vector.shape_cast %swap3A_233 : vector<1024x1x128xf32> to vector<1024x128xf32>
    %swap3A_235 = vector.shape_cast %add3A_229 : vector<1024x128xf32> to vector<1024x1x128xf32>
    tpu.vector_store %arg6[%swap3A_230, %swap3A_231, %swap3A_232], %swap3A_235 {strides = array<i32>} : memref<1024x8x128xf32, #tpu.memory_space<vmem>>, vector<1024x1x128xf32>,
    %get3A_236 = arith.constant 4 : index
    %get3A_237 = arith.constant 0 : index
    %get3A_238 = arith.constant 0 : index
    %get3A_239 = vector.load %arg1[%get3A_236, %get3A_237, %get3A_238] : memref<8x1024x128xf32, #tpu.memory_space<vmem>>, vector<1x1024x128xf32>
    %get3A_240 = vector.shape_cast %get3A_239 : vector<1x1024x128xf32> to vector<1024x128xf32>
    %get3A_241 = arith.constant 0 : index
    %get3A_242 = arith.constant 0 : index
    %get3A_243 = vector.load %arg2[%get3A_241, %get3A_242] : memref<128x384xf32, #tpu.memory_space<vmem>>, vector<128x384xf32>
    %get3A_244 = arith.constant 0 : index
    %get3A_245 = arith.constant 0 : index
    %get3A_246 = vector.load %arg3[%get3A_244, %get3A_245] : memref<128x384xf32, #tpu.memory_space<vmem>>, vector<128x384xf32>
    %get3A_247 = arith.constant 0 : index
    %get3A_248 = arith.constant 0 : index
    %get3A_249 = vector.load %arg4[%get3A_247, %get3A_248] : memref<1x384xf32, #tpu.memory_space<vmem>>, vector<1x384xf32>
    %get3A_250 = arith.constant 0 : index
    %get3A_251 = arith.constant 0 : index
    %get3A_252 = vector.load %arg5[%get3A_250, %get3A_251] : memref<1x384xf32, #tpu.memory_space<vmem>>, vector<1x384xf32>
    %dot_general3A_253 = arith.constant dense<0.000000e+00> : vector<1024x384xf32>
    %dot_general3A_254 = tpu.matmul %get3A_240, %get3A_243, %dot_general3A_253 {dimension_numbers = #tpu.dot_dimension_numbers<[1], [0], [0], [1], [0, 0, 1, 1], [], []>, transpose_lhs_hint = false} : vector<1024x128xf32>, vector<128x384xf32>, vector<1024x384xf32> -> vector<1024x384xf32>
    %add3A_255 = vector.broadcast %get3A_249 : vector<1x384xf32> to vector<1024x384xf32>
    %add3A_256 = arith.addf %dot_general3A_254, %add3A_255 : vector<1024x384xf32>
    %dot_general3A_257 = arith.constant dense<0.000000e+00> : vector<1024x384xf32>
    %dot_general3A_258 = tpu.matmul %add3A_229, %get3A_246, %dot_general3A_257 {dimension_numbers = #tpu.dot_dimension_numbers<[1], [0], [0], [1], [0, 0, 1, 1], [], []>, transpose_lhs_hint = false} : vector<1024x128xf32>, vector<128x384xf32>, vector<1024x384xf32> -> vector<1024x384xf32>
    %add3A_259 = vector.broadcast %get3A_252 : vector<1x384xf32> to vector<1024x384xf32>
    %add3A_260 = arith.addf %dot_general3A_258, %add3A_259 : vector<1024x384xf32>
    %slice3A_261 = vector.extract_strided_slice %add3A_256 {offsets = [0, 0], sizes = [1024, 128], strides = [1, 1]} : vector<1024x384xf32> to vector<1024x128xf32>
    %slice3A_262 = vector.extract_strided_slice %add3A_260 {offsets = [0, 0], sizes = [1024, 128], strides = [1, 1]} : vector<1024x384xf32> to vector<1024x128xf32>
    %add3A_263 = arith.addf %slice3A_261, %slice3A_262 : vector<1024x128xf32>
    %logistic3A_264 = arith.negf %add3A_263 : vector<1024x128xf32>
    %logistic3A_265 = math.exp %logistic3A_264 : vector<1024x128xf32>
    %logistic3A_266 = arith.constant 1.000000e+00 : f32
    %logistic3A_267 = vector.broadcast %logistic3A_266 : f32 to vector<1024x128xf32>
    %logistic3A_268 = arith.addf %logistic3A_267, %logistic3A_265 : vector<1024x128xf32>
    %logistic3A_269 = arith.divf %logistic3A_267, %logistic3A_268 : vector<1024x128xf32>
    %slice3A_270 = vector.extract_strided_slice %add3A_256 {offsets = [0, 128], sizes = [1024, 128], strides = [1, 1]} : vector<1024x384xf32> to vector<1024x128xf32>
    %slice3A_271 = vector.extract_strided_slice %add3A_260 {offsets = [0, 128], sizes = [1024, 128], strides = [1, 1]} : vector<1024x384xf32> to vector<1024x128xf32>
    %add3A_272 = arith.addf %slice3A_270, %slice3A_271 : vector<1024x128xf32>
    %logistic3A_273 = arith.negf %add3A_272 : vector<1024x128xf32>
    %logistic3A_274 = math.exp %logistic3A_273 : vector<1024x128xf32>
    %logistic3A_275 = arith.constant 1.000000e+00 : f32
    %logistic3A_276 = vector.broadcast %logistic3A_275 : f32 to vector<1024x128xf32>
    %logistic3A_277 = arith.addf %logistic3A_276, %logistic3A_274 : vector<1024x128xf32>
    %logistic3A_278 = arith.divf %logistic3A_276, %logistic3A_277 : vector<1024x128xf32>
    %slice3A_279 = vector.extract_strided_slice %add3A_256 {offsets = [0, 256], sizes = [1024, 128], strides = [1, 1]} : vector<1024x384xf32> to vector<1024x128xf32>
    %slice3A_280 = vector.extract_strided_slice %add3A_260 {offsets = [0, 256], sizes = [1024, 128], strides = [1, 1]} : vector<1024x384xf32> to vector<1024x128xf32>
    %mul3A_281 = arith.mulf %logistic3A_269, %slice3A_280 : vector<1024x128xf32>
    %add3A_282 = arith.addf %slice3A_279, %mul3A_281 : vector<1024x128xf32>
    %tanh3A_283 = math.tanh %add3A_282 : vector<1024x128xf32>
    %sub3A_284 = arith.constant 1.000000e+00 : f32
    %sub3A_285 = vector.broadcast %sub3A_284 : f32 to vector<1024x128xf32>
    %sub3A_286 = arith.subf %sub3A_285, %logistic3A_278 : vector<1024x128xf32>
    %mul3A_287 = arith.mulf %sub3A_286, %tanh3A_283 : vector<1024x128xf32>
    %mul3A_288 = arith.mulf %logistic3A_278, %add3A_229 : vector<1024x128xf32>
    %add3A_289 = arith.addf %mul3A_287, %mul3A_288 : vector<1024x128xf32>
    %swap3A_290 = arith.constant 0 : index
    %swap3A_291 = arith.constant 4 : index
    %swap3A_292 = arith.constant 0 : index
    %swap3A_293 = vector.load %arg6[%swap3A_290, %swap3A_291, %swap3A_292] : memref<1024x8x128xf32, #tpu.memory_space<vmem>>, vector<1024x1x128xf32>
    %swap3A_294 = vector.shape_cast %swap3A_293 : vector<1024x1x128xf32> to vector<1024x128xf32>
    %swap3A_295 = vector.shape_cast %add3A_289 : vector<1024x128xf32> to vector<1024x1x128xf32>
    tpu.vector_store %arg6[%swap3A_290, %swap3A_291, %swap3A_292], %swap3A_295 {strides = array<i32>} : memref<1024x8x128xf32, #tpu.memory_space<vmem>>, vector<1024x1x128xf32>,
    %get3A_296 = arith.constant 5 : index
    %get3A_297 = arith.constant 0 : index
    %get3A_298 = arith.constant 0 : index
    %get3A_299 = vector.load %arg1[%get3A_296, %get3A_297, %get3A_298] : memref<8x1024x128xf32, #tpu.memory_space<vmem>>, vector<1x1024x128xf32>
    %get3A_300 = vector.shape_cast %get3A_299 : vector<1x1024x128xf32> to vector<1024x128xf32>
    %get3A_301 = arith.constant 0 : index
    %get3A_302 = arith.constant 0 : index
    %get3A_303 = vector.load %arg2[%get3A_301, %get3A_302] : memref<128x384xf32, #tpu.memory_space<vmem>>, vector<128x384xf32>
    %get3A_304 = arith.constant 0 : index
    %get3A_305 = arith.constant 0 : index
    %get3A_306 = vector.load %arg3[%get3A_304, %get3A_305] : memref<128x384xf32, #tpu.memory_space<vmem>>, vector<128x384xf32>
    %get3A_307 = arith.constant 0 : index
    %get3A_308 = arith.constant 0 : index
    %get3A_309 = vector.load %arg4[%get3A_307, %get3A_308] : memref<1x384xf32, #tpu.memory_space<vmem>>, vector<1x384xf32>
    %get3A_310 = arith.constant 0 : index
    %get3A_311 = arith.constant 0 : index
    %get3A_312 = vector.load %arg5[%get3A_310, %get3A_311] : memref<1x384xf32, #tpu.memory_space<vmem>>, vector<1x384xf32>
    %dot_general3A_313 = arith.constant dense<0.000000e+00> : vector<1024x384xf32>
    %dot_general3A_314 = tpu.matmul %get3A_300, %get3A_303, %dot_general3A_313 {dimension_numbers = #tpu.dot_dimension_numbers<[1], [0], [0], [1], [0, 0, 1, 1], [], []>, transpose_lhs_hint = false} : vector<1024x128xf32>, vector<128x384xf32>, vector<1024x384xf32> -> vector<1024x384xf32>
    %add3A_315 = vector.broadcast %get3A_309 : vector<1x384xf32> to vector<1024x384xf32>
    %add3A_316 = arith.addf %dot_general3A_314, %add3A_315 : vector<1024x384xf32>
    %dot_general3A_317 = arith.constant dense<0.000000e+00> : vector<1024x384xf32>
    %dot_general3A_318 = tpu.matmul %add3A_289, %get3A_306, %dot_general3A_317 {dimension_numbers = #tpu.dot_dimension_numbers<[1], [0], [0], [1], [0, 0, 1, 1], [], []>, transpose_lhs_hint = false} : vector<1024x128xf32>, vector<128x384xf32>, vector<1024x384xf32> -> vector<1024x384xf32>
    %add3A_319 = vector.broadcast %get3A_312 : vector<1x384xf32> to vector<1024x384xf32>
    %add3A_320 = arith.addf %dot_general3A_318, %add3A_319 : vector<1024x384xf32>
    %slice3A_321 = vector.extract_strided_slice %add3A_316 {offsets = [0, 0], sizes = [1024, 128], strides = [1, 1]} : vector<1024x384xf32> to vector<1024x128xf32>
    %slice3A_322 = vector.extract_strided_slice %add3A_320 {offsets = [0, 0], sizes = [1024, 128], strides = [1, 1]} : vector<1024x384xf32> to vector<1024x128xf32>
    %add3A_323 = arith.addf %slice3A_321, %slice3A_322 : vector<1024x128xf32>
    %logistic3A_324 = arith.negf %add3A_323 : vector<1024x128xf32>
    %logistic3A_325 = math.exp %logistic3A_324 : vector<1024x128xf32>
    %logistic3A_326 = arith.constant 1.000000e+00 : f32
    %logistic3A_327 = vector.broadcast %logistic3A_326 : f32 to vector<1024x128xf32>
    %logistic3A_328 = arith.addf %logistic3A_327, %logistic3A_325 : vector<1024x128xf32>
    %logistic3A_329 = arith.divf %logistic3A_327, %logistic3A_328 : vector<1024x128xf32>
    %slice3A_330 = vector.extract_strided_slice %add3A_316 {offsets = [0, 128], sizes = [1024, 128], strides = [1, 1]} : vector<1024x384xf32> to vector<1024x128xf32>
    %slice3A_331 = vector.extract_strided_slice %add3A_320 {offsets = [0, 128], sizes = [1024, 128], strides = [1, 1]} : vector<1024x384xf32> to vector<1024x128xf32>
    %add3A_332 = arith.addf %slice3A_330, %slice3A_331 : vector<1024x128xf32>
    %logistic3A_333 = arith.negf %add3A_332 : vector<1024x128xf32>
    %logistic3A_334 = math.exp %logistic3A_333 : vector<1024x128xf32>
    %logistic3A_335 = arith.constant 1.000000e+00 : f32
    %logistic3A_336 = vector.broadcast %logistic3A_335 : f32 to vector<1024x128xf32>
    %logistic3A_337 = arith.addf %logistic3A_336, %logistic3A_334 : vector<1024x128xf32>
    %logistic3A_338 = arith.divf %logistic3A_336, %logistic3A_337 : vector<1024x128xf32>
    %slice3A_339 = vector.extract_strided_slice %add3A_316 {offsets = [0, 256], sizes = [1024, 128], strides = [1, 1]} : vector<1024x384xf32> to vector<1024x128xf32>
    %slice3A_340 = vector.extract_strided_slice %add3A_320 {offsets = [0, 256], sizes = [1024, 128], strides = [1, 1]} : vector<1024x384xf32> to vector<1024x128xf32>
    %mul3A_341 = arith.mulf %logistic3A_329, %slice3A_340 : vector<1024x128xf32>
    %add3A_342 = arith.addf %slice3A_339, %mul3A_341 : vector<1024x128xf32>
    %tanh3A_343 = math.tanh %add3A_342 : vector<1024x128xf32>
    %sub3A_344 = arith.constant 1.000000e+00 : f32
    %sub3A_345 = vector.broadcast %sub3A_344 : f32 to vector<1024x128xf32>
    %sub3A_346 = arith.subf %sub3A_345, %logistic3A_338 : vector<1024x128xf32>
    %mul3A_347 = arith.mulf %sub3A_346, %tanh3A_343 : vector<1024x128xf32>
    %mul3A_348 = arith.mulf %logistic3A_338, %add3A_289 : vector<1024x128xf32>
    %add3A_349 = arith.addf %mul3A_347, %mul3A_348 : vector<1024x128xf32>
    %swap3A_350 = arith.constant 0 : index
    %swap3A_351 = arith.constant 5 : index
    %swap3A_352 = arith.constant 0 : index
    %swap3A_353 = vector.load %arg6[%swap3A_350, %swap3A_351, %swap3A_352] : memref<1024x8x128xf32, #tpu.memory_space<vmem>>, vector<1024x1x128xf32>
    %swap3A_354 = vector.shape_cast %swap3A_353 : vector<1024x1x128xf32> to vector<1024x128xf32>
    %swap3A_355 = vector.shape_cast %add3A_349 : vector<1024x128xf32> to vector<1024x1x128xf32>
    tpu.vector_store %arg6[%swap3A_350, %swap3A_351, %swap3A_352], %swap3A_355 {strides = array<i32>} : memref<1024x8x128xf32, #tpu.memory_space<vmem>>, vector<1024x1x128xf32>,
    %get3A_356 = arith.constant 6 : index
    %get3A_357 = arith.constant 0 : index
    %get3A_358 = arith.constant 0 : index
    %get3A_359 = vector.load %arg1[%get3A_356, %get3A_357, %get3A_358] : memref<8x1024x128xf32, #tpu.memory_space<vmem>>, vector<1x1024x128xf32>
    %get3A_360 = vector.shape_cast %get3A_359 : vector<1x1024x128xf32> to vector<1024x128xf32>
    %get3A_361 = arith.constant 0 : index
    %get3A_362 = arith.constant 0 : index
    %get3A_363 = vector.load %arg2[%get3A_361, %get3A_362] : memref<128x384xf32, #tpu.memory_space<vmem>>, vector<128x384xf32>
    %get3A_364 = arith.constant 0 : index
    %get3A_365 = arith.constant 0 : index
    %get3A_366 = vector.load %arg3[%get3A_364, %get3A_365] : memref<128x384xf32, #tpu.memory_space<vmem>>, vector<128x384xf32>
    %get3A_367 = arith.constant 0 : index
    %get3A_368 = arith.constant 0 : index
    %get3A_369 = vector.load %arg4[%get3A_367, %get3A_368] : memref<1x384xf32, #tpu.memory_space<vmem>>, vector<1x384xf32>
    %get3A_370 = arith.constant 0 : index
    %get3A_371 = arith.constant 0 : index
    %get3A_372 = vector.load %arg5[%get3A_370, %get3A_371] : memref<1x384xf32, #tpu.memory_space<vmem>>, vector<1x384xf32>
    %dot_general3A_373 = arith.constant dense<0.000000e+00> : vector<1024x384xf32>
    %dot_general3A_374 = tpu.matmul %get3A_360, %get3A_363, %dot_general3A_373 {dimension_numbers = #tpu.dot_dimension_numbers<[1], [0], [0], [1], [0, 0, 1, 1], [], []>, transpose_lhs_hint = false} : vector<1024x128xf32>, vector<128x384xf32>, vector<1024x384xf32> -> vector<1024x384xf32>
    %add3A_375 = vector.broadcast %get3A_369 : vector<1x384xf32> to vector<1024x384xf32>
    %add3A_376 = arith.addf %dot_general3A_374, %add3A_375 : vector<1024x384xf32>
    %dot_general3A_377 = arith.constant dense<0.000000e+00> : vector<1024x384xf32>
    %dot_general3A_378 = tpu.matmul %add3A_349, %get3A_366, %dot_general3A_377 {dimension_numbers = #tpu.dot_dimension_numbers<[1], [0], [0], [1], [0, 0, 1, 1], [], []>, transpose_lhs_hint = false} : vector<1024x128xf32>, vector<128x384xf32>, vector<1024x384xf32> -> vector<1024x384xf32>
    %add3A_379 = vector.broadcast %get3A_372 : vector<1x384xf32> to vector<1024x384xf32>
    %add3A_380 = arith.addf %dot_general3A_378, %add3A_379 : vector<1024x384xf32>
    %slice3A_381 = vector.extract_strided_slice %add3A_376 {offsets = [0, 0], sizes = [1024, 128], strides = [1, 1]} : vector<1024x384xf32> to vector<1024x128xf32>
    %slice3A_382 = vector.extract_strided_slice %add3A_380 {offsets = [0, 0], sizes = [1024, 128], strides = [1, 1]} : vector<1024x384xf32> to vector<1024x128xf32>
    %add3A_383 = arith.addf %slice3A_381, %slice3A_382 : vector<1024x128xf32>
    %logistic3A_384 = arith.negf %add3A_383 : vector<1024x128xf32>
    %logistic3A_385 = math.exp %logistic3A_384 : vector<1024x128xf32>
    %logistic3A_386 = arith.constant 1.000000e+00 : f32
    %logistic3A_387 = vector.broadcast %logistic3A_386 : f32 to vector<1024x128xf32>
    %logistic3A_388 = arith.addf %logistic3A_387, %logistic3A_385 : vector<1024x128xf32>
    %logistic3A_389 = arith.divf %logistic3A_387, %logistic3A_388 : vector<1024x128xf32>
    %slice3A_390 = vector.extract_strided_slice %add3A_376 {offsets = [0, 128], sizes = [1024, 128], strides = [1, 1]} : vector<1024x384xf32> to vector<1024x128xf32>
    %slice3A_391 = vector.extract_strided_slice %add3A_380 {offsets = [0, 128], sizes = [1024, 128], strides = [1, 1]} : vector<1024x384xf32> to vector<1024x128xf32>
    %add3A_392 = arith.addf %slice3A_390, %slice3A_391 : vector<1024x128xf32>
    %logistic3A_393 = arith.negf %add3A_392 : vector<1024x128xf32>
    %logistic3A_394 = math.exp %logistic3A_393 : vector<1024x128xf32>
    %logistic3A_395 = arith.constant 1.000000e+00 : f32
    %logistic3A_396 = vector.broadcast %logistic3A_395 : f32 to vector<1024x128xf32>
    %logistic3A_397 = arith.addf %logistic3A_396, %logistic3A_394 : vector<1024x128xf32>
    %logistic3A_398 = arith.divf %logistic3A_396, %logistic3A_397 : vector<1024x128xf32>
    %slice3A_399 = vector.extract_strided_slice %add3A_376 {offsets = [0, 256], sizes = [1024, 128], strides = [1, 1]} : vector<1024x384xf32> to vector<1024x128xf32>
    %slice3A_400 = vector.extract_strided_slice %add3A_380 {offsets = [0, 256], sizes = [1024, 128], strides = [1, 1]} : vector<1024x384xf32> to vector<1024x128xf32>
    %mul3A_401 = arith.mulf %logistic3A_389, %slice3A_400 : vector<1024x128xf32>
    %add3A_402 = arith.addf %slice3A_399, %mul3A_401 : vector<1024x128xf32>
    %tanh3A_403 = math.tanh %add3A_402 : vector<1024x128xf32>
    %sub3A_404 = arith.constant 1.000000e+00 : f32
    %sub3A_405 = vector.broadcast %sub3A_404 : f32 to vector<1024x128xf32>
    %sub3A_406 = arith.subf %sub3A_405, %logistic3A_398 : vector<1024x128xf32>
    %mul3A_407 = arith.mulf %sub3A_406, %tanh3A_403 : vector<1024x128xf32>
    %mul3A_408 = arith.mulf %logistic3A_398, %add3A_349 : vector<1024x128xf32>
    %add3A_409 = arith.addf %mul3A_407, %mul3A_408 : vector<1024x128xf32>
    %swap3A_410 = arith.constant 0 : index
    %swap3A_411 = arith.constant 6 : index
    %swap3A_412 = arith.constant 0 : index
    %swap3A_413 = vector.load %arg6[%swap3A_410, %swap3A_411, %swap3A_412] : memref<1024x8x128xf32, #tpu.memory_space<vmem>>, vector<1024x1x128xf32>
    %swap3A_414 = vector.shape_cast %swap3A_413 : vector<1024x1x128xf32> to vector<1024x128xf32>
    %swap3A_415 = vector.shape_cast %add3A_409 : vector<1024x128xf32> to vector<1024x1x128xf32>
    tpu.vector_store %arg6[%swap3A_410, %swap3A_411, %swap3A_412], %swap3A_415 {strides = array<i32>} : memref<1024x8x128xf32, #tpu.memory_space<vmem>>, vector<1024x1x128xf32>,
    %get3A_416 = arith.constant 7 : index
    %get3A_417 = arith.constant 0 : index
    %get3A_418 = arith.constant 0 : index
    %get3A_419 = vector.load %arg1[%get3A_416, %get3A_417, %get3A_418] : memref<8x1024x128xf32, #tpu.memory_space<vmem>>, vector<1x1024x128xf32>
    %get3A_420 = vector.shape_cast %get3A_419 : vector<1x1024x128xf32> to vector<1024x128xf32>
    %get3A_421 = arith.constant 0 : index
    %get3A_422 = arith.constant 0 : index
    %get3A_423 = vector.load %arg2[%get3A_421, %get3A_422] : memref<128x384xf32, #tpu.memory_space<vmem>>, vector<128x384xf32>
    %get3A_424 = arith.constant 0 : index
    %get3A_425 = arith.constant 0 : index
    %get3A_426 = vector.load %arg3[%get3A_424, %get3A_425] : memref<128x384xf32, #tpu.memory_space<vmem>>, vector<128x384xf32>
    %get3A_427 = arith.constant 0 : index
    %get3A_428 = arith.constant 0 : index
    %get3A_429 = vector.load %arg4[%get3A_427, %get3A_428] : memref<1x384xf32, #tpu.memory_space<vmem>>, vector<1x384xf32>
    %get3A_430 = arith.constant 0 : index
    %get3A_431 = arith.constant 0 : index
    %get3A_432 = vector.load %arg5[%get3A_430, %get3A_431] : memref<1x384xf32, #tpu.memory_space<vmem>>, vector<1x384xf32>
    %dot_general3A_433 = arith.constant dense<0.000000e+00> : vector<1024x384xf32>
    %dot_general3A_434 = tpu.matmul %get3A_420, %get3A_423, %dot_general3A_433 {dimension_numbers = #tpu.dot_dimension_numbers<[1], [0], [0], [1], [0, 0, 1, 1], [], []>, transpose_lhs_hint = false} : vector<1024x128xf32>, vector<128x384xf32>, vector<1024x384xf32> -> vector<1024x384xf32>
    %add3A_435 = vector.broadcast %get3A_429 : vector<1x384xf32> to vector<1024x384xf32>
    %add3A_436 = arith.addf %dot_general3A_434, %add3A_435 : vector<1024x384xf32>
    %dot_general3A_437 = arith.constant dense<0.000000e+00> : vector<1024x384xf32>
    %dot_general3A_438 = tpu.matmul %add3A_409, %get3A_426, %dot_general3A_437 {dimension_numbers = #tpu.dot_dimension_numbers<[1], [0], [0], [1], [0, 0, 1, 1], [], []>, transpose_lhs_hint = false} : vector<1024x128xf32>, vector<128x384xf32>, vector<1024x384xf32> -> vector<1024x384xf32>
    %add3A_439 = vector.broadcast %get3A_432 : vector<1x384xf32> to vector<1024x384xf32>
    %add3A_440 = arith.addf %dot_general3A_438, %add3A_439 : vector<1024x384xf32>
    %slice3A_441 = vector.extract_strided_slice %add3A_436 {offsets = [0, 0], sizes = [1024, 128], strides = [1, 1]} : vector<1024x384xf32> to vector<1024x128xf32>
    %slice3A_442 = vector.extract_strided_slice %add3A_440 {offsets = [0, 0], sizes = [1024, 128], strides = [1, 1]} : vector<1024x384xf32> to vector<1024x128xf32>
    %add3A_443 = arith.addf %slice3A_441, %slice3A_442 : vector<1024x128xf32>
    %logistic3A_444 = arith.negf %add3A_443 : vector<1024x128xf32>
    %logistic3A_445 = math.exp %logistic3A_444 : vector<1024x128xf32>
    %logistic3A_446 = arith.constant 1.000000e+00 : f32
    %logistic3A_447 = vector.broadcast %logistic3A_446 : f32 to vector<1024x128xf32>
    %logistic3A_448 = arith.addf %logistic3A_447, %logistic3A_445 : vector<1024x128xf32>
    %logistic3A_449 = arith.divf %logistic3A_447, %logistic3A_448 : vector<1024x128xf32>
    %slice3A_450 = vector.extract_strided_slice %add3A_436 {offsets = [0, 128], sizes = [1024, 128], strides = [1, 1]} : vector<1024x384xf32> to vector<1024x128xf32>
    %slice3A_451 = vector.extract_strided_slice %add3A_440 {offsets = [0, 128], sizes = [1024, 128], strides = [1, 1]} : vector<1024x384xf32> to vector<1024x128xf32>
    %add3A_452 = arith.addf %slice3A_450, %slice3A_451 : vector<1024x128xf32>
    %logistic3A_453 = arith.negf %add3A_452 : vector<1024x128xf32>
    %logistic3A_454 = math.exp %logistic3A_453 : vector<1024x128xf32>
    %logistic3A_455 = arith.constant 1.000000e+00 : f32
    %logistic3A_456 = vector.broadcast %logistic3A_455 : f32 to vector<1024x128xf32>
    %logistic3A_457 = arith.addf %logistic3A_456, %logistic3A_454 : vector<1024x128xf32>
    %logistic3A_458 = arith.divf %logistic3A_456, %logistic3A_457 : vector<1024x128xf32>
    %slice3A_459 = vector.extract_strided_slice %add3A_436 {offsets = [0, 256], sizes = [1024, 128], strides = [1, 1]} : vector<1024x384xf32> to vector<1024x128xf32>
    %slice3A_460 = vector.extract_strided_slice %add3A_440 {offsets = [0, 256], sizes = [1024, 128], strides = [1, 1]} : vector<1024x384xf32> to vector<1024x128xf32>
    %mul3A_461 = arith.mulf %logistic3A_449, %slice3A_460 : vector<1024x128xf32>
    %add3A_462 = arith.addf %slice3A_459, %mul3A_461 : vector<1024x128xf32>
    %tanh3A_463 = math.tanh %add3A_462 : vector<1024x128xf32>
    %sub3A_464 = arith.constant 1.000000e+00 : f32
    %sub3A_465 = vector.broadcast %sub3A_464 : f32 to vector<1024x128xf32>
    %sub3A_466 = arith.subf %sub3A_465, %logistic3A_458 : vector<1024x128xf32>
    %mul3A_467 = arith.mulf %sub3A_466, %tanh3A_463 : vector<1024x128xf32>
    %mul3A_468 = arith.mulf %logistic3A_458, %add3A_409 : vector<1024x128xf32>
    %add3A_469 = arith.addf %mul3A_467, %mul3A_468 : vector<1024x128xf32>
    %swap3A_470 = arith.constant 0 : index
    %swap3A_471 = arith.constant 7 : index
    %swap3A_472 = arith.constant 0 : index
    %swap3A_473 = vector.load %arg6[%swap3A_470, %swap3A_471, %swap3A_472] : memref<1024x8x128xf32, #tpu.memory_space<vmem>>, vector<1024x1x128xf32>
    %swap3A_474 = vector.shape_cast %swap3A_473 : vector<1024x1x128xf32> to vector<1024x128xf32>
    %swap3A_475 = vector.shape_cast %add3A_469 : vector<1024x128xf32> to vector<1024x1x128xf32>
    tpu.vector_store %arg6[%swap3A_470, %swap3A_471, %swap3A_472], %swap3A_475 {strides = array<i32>} : memref<1024x8x128xf32, #tpu.memory_space<vmem>>, vector<1024x1x128xf32>,
    %swap3A_476 = arith.constant 0 : index
    %swap3A_477 = arith.constant 0 : index
    %swap3A_478 = vector.load %arg8[%swap3A_476, %swap3A_477] : memref<1024x128xf32, #tpu.memory_space<vmem>>, vector<1024x128xf32>
    tpu.vector_store %arg8[%swap3A_476, %swap3A_477], %add3A_469 {strides = array<i32>} : memref<1024x128xf32, #tpu.memory_space<vmem>>, vector<1024x128xf32>,
    %eq3A_479 = arith.constant 1 : i32
    %eq3A_480 = arith.cmpi eq, %arg0, %eq3A_479 : i32
    %convert_element_type3A_481 = arith.extui %eq3A_480 : i1 to i32
    %cond3A_482 = arith.constant 0 : i32
    %cond3A_483 = arith.cmpi ne, %convert_element_type3A_481, %cond3A_482 : i32
    scf.if %cond3A_483 {
      %swap3A_484 = arith.constant 0 : index
      %swap3A_485 = arith.constant 0 : index
      %swap3A_486 = vector.load %arg7[%swap3A_484, %swap3A_485] : memref<1024x128xf32, #tpu.memory_space<vmem>>, vector<1024x128xf32>
      tpu.vector_store %arg7[%swap3A_484, %swap3A_485], %add3A_469 {strides = array<i32>} : memref<1024x128xf32, #tpu.memory_space<vmem>>, vector<1024x128xf32>,
    } else {
    }
    return
  }
  func.func @transform_0(%arg0: i32) -> (i32, i32, i32) {
    %c0_i32 = arith.constant 0 : i32
    %c0_i32_0 = arith.constant 0 : i32
    %c0_i32_1 = arith.constant 0 : i32
    return %arg0, %c0_i32, %c0_i32_0 : i32, i32, i32
  }
  func.func @transform_1(%arg0: i32) -> (i32, i32) {
    %c0_i32 = arith.constant 0 : i32
    %c0_i32_0 = arith.constant 0 : i32
    %c0_i32_1 = arith.constant 0 : i32
    return %c0_i32, %c0_i32_0 : i32, i32
  }
  func.func @transform_2(%arg0: i32) -> (i32, i32) {
    %c0_i32 = arith.constant 0 : i32
    %c0_i32_0 = arith.constant 0 : i32
    %c0_i32_1 = arith.constant 0 : i32
    return %c0_i32, %c0_i32_0 : i32, i32
  }
  func.func @transform_3(%arg0: i32) -> (i32, i32) {
    %c0_i32 = arith.constant 0 : i32
    %c0_i32_0 = arith.constant 0 : i32
    %c0_i32_1 = arith.constant 0 : i32
    return %c0_i32, %c0_i32_0 : i32, i32
  }
  func.func @transform_4(%arg0: i32) -> (i32, i32) {
    %c0_i32 = arith.constant 0 : i32
    %c0_i32_0 = arith.constant 0 : i32
    %c0_i32_1 = arith.constant 0 : i32
    return %c0_i32, %c0_i32_0 : i32, i32
  }
  func.func @transform_5(%arg0: i32) -> (i32, i32, i32) {
    %c0_i32 = arith.constant 0 : i32
    %c0_i32_0 = arith.constant 0 : i32
    %c0_i32_1 = arith.constant 0 : i32
    return %c0_i32, %arg0, %c0_i32_0 : i32, i32, i32
  }
  func.func @transform_6(%arg0: i32) -> (i32, i32) {
    %c0_i32 = arith.constant 0 : i32
    %c0_i32_0 = arith.constant 0 : i32
    %c0_i32_1 = arith.constant 0 : i32
    return %c0_i32, %c0_i32_0 : i32, i32
  }
}

module attributes {stable_mosaic.version = 14 : i64} {
  func.func @body(%arg0: i32, %arg1: memref<8x1024x128xf32, #tpu.memory_space<vmem>>, %arg2: memref<128x384xf32, #tpu.memory_space<vmem>>, %arg3: memref<128x384xf32, #tpu.memory_space<vmem>>, %arg4: memref<1x384xf32, #tpu.memory_space<vmem>>, %arg5: memref<1x384xf32, #tpu.memory_space<vmem>>, %arg6: memref<1024x128xf32, #tpu.memory_space<vmem>>, %arg7: memref<1024x50x128xf32, #tpu.memory_space<hbm>>, %arg8: memref<1024x8x128xf32, #tpu.memory_space<vmem>>, %arg9: memref<1024x128xf32, #tpu.memory_space<vmem>>) attributes {dimension_semantics = [#tpu.dimension_semantics<arbitrary>], iteration_bounds = array<i64: 5>, scalar_prefetch = 0 : i64, scratch_operands = 1 : i64, tpu.core_type = #tpu.core_type<tc>, window_params = [{transform_indices = @transform_0, window_bounds = array<i64: 8, 1024, 128>}, {pipeline_mode = #tpu.pipeline_mode<synchronous>, transform_indices = @transform_1, window_bounds = array<i64: 128, 384>}, {pipeline_mode = #tpu.pipeline_mode<synchronous>, transform_indices = @transform_2, window_bounds = array<i64: 128, 384>}, {pipeline_mode = #tpu.pipeline_mode<synchronous>, transform_indices = @transform_3, window_bounds = array<i64: 1, 384>}, {pipeline_mode = #tpu.pipeline_mode<synchronous>, transform_indices = @transform_4, window_bounds = array<i64: 1, 384>}, {pipeline_mode = #tpu.pipeline_mode<synchronous>, transform_indices = @transform_5, window_bounds = array<i64: 1024, 128>}, {}, {transform_indices = @transform_7, window_bounds = array<i64: 1024, 8, 128>}]} {
    %eq3A = arith.constant 0 : i32
    %eq3A_0 = arith.cmpi eq, %arg0, %eq3A : i32
    %convert_element_type3A = arith.extui %eq3A_0 : i1 to i32
    %cond3A = arith.constant 0 : i32
    %cond3A_1 = arith.cmpi ne, %convert_element_type3A, %cond3A : i32
    scf.if %cond3A_1 {
      %get3A_479 = arith.constant 0 : index
      %get3A_480 = arith.constant 0 : index
      %get3A_481 = vector.load %arg6[%get3A_479, %get3A_480] : memref<1024x128xf32, #tpu.memory_space<vmem>>, vector<1024x128xf32>
      %swap3A_482 = arith.constant 0 : index
      %swap3A_483 = arith.constant 0 : index
      %swap3A_484 = vector.load %arg9[%swap3A_482, %swap3A_483] : memref<1024x128xf32, #tpu.memory_space<vmem>>, vector<1024x128xf32>
      tpu.vector_store %arg9[%swap3A_482, %swap3A_483], %get3A_481 {strides = array<i32>} : memref<1024x128xf32, #tpu.memory_space<vmem>>, vector<1024x128xf32>,
    } else {
    }
    %get3A = arith.constant 0 : index
    %get3A_2 = arith.constant 0 : index
    %get3A_3 = vector.load %arg9[%get3A, %get3A_2] : memref<1024x128xf32, #tpu.memory_space<vmem>>, vector<1024x128xf32>
    %get3A_4 = arith.constant 0 : index
    %get3A_5 = arith.constant 0 : index
    %get3A_6 = arith.constant 0 : index
    %get3A_7 = vector.load %arg1[%get3A_4, %get3A_5, %get3A_6] : memref<8x1024x128xf32, #tpu.memory_space<vmem>>, vector<1x1024x128xf32>
    %get3A_8 = vector.shape_cast %get3A_7 : vector<1x1024x128xf32> to vector<1024x128xf32>
    %get3A_9 = arith.constant 0 : index
    %get3A_10 = arith.constant 0 : index
    %get3A_11 = vector.load %arg2[%get3A_9, %get3A_10] : memref<128x384xf32, #tpu.memory_space<vmem>>, vector<128x384xf32>
    %get3A_12 = arith.constant 0 : index
    %get3A_13 = arith.constant 0 : index
    %get3A_14 = vector.load %arg3[%get3A_12, %get3A_13] : memref<128x384xf32, #tpu.memory_space<vmem>>, vector<128x384xf32>
    %get3A_15 = arith.constant 0 : index
    %get3A_16 = arith.constant 0 : index
    %get3A_17 = vector.load %arg4[%get3A_15, %get3A_16] : memref<1x384xf32, #tpu.memory_space<vmem>>, vector<1x384xf32>
    %get3A_18 = arith.constant 0 : index
    %get3A_19 = arith.constant 0 : index
    %get3A_20 = vector.load %arg5[%get3A_18, %get3A_19] : memref<1x384xf32, #tpu.memory_space<vmem>>, vector<1x384xf32>
    %dot_general3A = arith.constant dense<0.000000e+00> : vector<1024x384xf32>
    %dot_general3A_21 = tpu.matmul %get3A_8, %get3A_11, %dot_general3A {dimension_numbers = #tpu.dot_dimension_numbers<[1], [0], [0], [1], [0, 0, 1, 1], [], []>, transpose_lhs_hint = false} : vector<1024x128xf32>, vector<128x384xf32>, vector<1024x384xf32> -> vector<1024x384xf32>
    %add3A = vector.broadcast %get3A_17 : vector<1x384xf32> to vector<1024x384xf32>
    %add3A_22 = arith.addf %dot_general3A_21, %add3A : vector<1024x384xf32>
    %dot_general3A_23 = arith.constant dense<0.000000e+00> : vector<1024x384xf32>
    %dot_general3A_24 = tpu.matmul %get3A_3, %get3A_14, %dot_general3A_23 {dimension_numbers = #tpu.dot_dimension_numbers<[1], [0], [0], [1], [0, 0, 1, 1], [], []>, transpose_lhs_hint = false} : vector<1024x128xf32>, vector<128x384xf32>, vector<1024x384xf32> -> vector<1024x384xf32>
    %add3A_25 = vector.broadcast %get3A_20 : vector<1x384xf32> to vector<1024x384xf32>
    %add3A_26 = arith.addf %dot_general3A_24, %add3A_25 : vector<1024x384xf32>
    %slice3A = vector.extract_strided_slice %add3A_22 {offsets = [0, 0], sizes = [1024, 128], strides = [1, 1]} : vector<1024x384xf32> to vector<1024x128xf32>
    %slice3A_27 = vector.extract_strided_slice %add3A_26 {offsets = [0, 0], sizes = [1024, 128], strides = [1, 1]} : vector<1024x384xf32> to vector<1024x128xf32>
    %add3A_28 = arith.addf %slice3A, %slice3A_27 : vector<1024x128xf32>
    %logistic3A = arith.negf %add3A_28 : vector<1024x128xf32>
    %logistic3A_29 = math.exp %logistic3A : vector<1024x128xf32>
    %logistic3A_30 = arith.constant 1.000000e+00 : f32
    %logistic3A_31 = vector.broadcast %logistic3A_30 : f32 to vector<1024x128xf32>
    %logistic3A_32 = arith.addf %logistic3A_31, %logistic3A_29 : vector<1024x128xf32>
    %logistic3A_33 = arith.divf %logistic3A_31, %logistic3A_32 : vector<1024x128xf32>
    %slice3A_34 = vector.extract_strided_slice %add3A_22 {offsets = [0, 128], sizes = [1024, 128], strides = [1, 1]} : vector<1024x384xf32> to vector<1024x128xf32>
    %slice3A_35 = vector.extract_strided_slice %add3A_26 {offsets = [0, 128], sizes = [1024, 128], strides = [1, 1]} : vector<1024x384xf32> to vector<1024x128xf32>
    %add3A_36 = arith.addf %slice3A_34, %slice3A_35 : vector<1024x128xf32>
    %logistic3A_37 = arith.negf %add3A_36 : vector<1024x128xf32>
    %logistic3A_38 = math.exp %logistic3A_37 : vector<1024x128xf32>
    %logistic3A_39 = arith.constant 1.000000e+00 : f32
    %logistic3A_40 = vector.broadcast %logistic3A_39 : f32 to vector<1024x128xf32>
    %logistic3A_41 = arith.addf %logistic3A_40, %logistic3A_38 : vector<1024x128xf32>
    %logistic3A_42 = arith.divf %logistic3A_40, %logistic3A_41 : vector<1024x128xf32>
    %slice3A_43 = vector.extract_strided_slice %add3A_22 {offsets = [0, 256], sizes = [1024, 128], strides = [1, 1]} : vector<1024x384xf32> to vector<1024x128xf32>
    %slice3A_44 = vector.extract_strided_slice %add3A_26 {offsets = [0, 256], sizes = [1024, 128], strides = [1, 1]} : vector<1024x384xf32> to vector<1024x128xf32>
    %mul3A = arith.mulf %logistic3A_33, %slice3A_44 : vector<1024x128xf32>
    %add3A_45 = arith.addf %slice3A_43, %mul3A : vector<1024x128xf32>
    %tanh3A = math.tanh %add3A_45 : vector<1024x128xf32>
    %sub3A = arith.constant 1.000000e+00 : f32
    %sub3A_46 = vector.broadcast %sub3A : f32 to vector<1024x128xf32>
    %sub3A_47 = arith.subf %sub3A_46, %logistic3A_42 : vector<1024x128xf32>
    %mul3A_48 = arith.mulf %sub3A_47, %tanh3A : vector<1024x128xf32>
    %mul3A_49 = arith.mulf %logistic3A_42, %get3A_3 : vector<1024x128xf32>
    %add3A_50 = arith.addf %mul3A_48, %mul3A_49 : vector<1024x128xf32>
    %swap3A = arith.constant 0 : index
    %swap3A_51 = arith.constant 0 : index
    %swap3A_52 = arith.constant 0 : index
    %swap3A_53 = vector.load %arg8[%swap3A, %swap3A_51, %swap3A_52] : memref<1024x8x128xf32, #tpu.memory_space<vmem>>, vector<1024x1x128xf32>
    %swap3A_54 = vector.shape_cast %swap3A_53 : vector<1024x1x128xf32> to vector<1024x128xf32>
    %swap3A_55 = vector.shape_cast %add3A_50 : vector<1024x128xf32> to vector<1024x1x128xf32>
    tpu.vector_store %arg8[%swap3A, %swap3A_51, %swap3A_52], %swap3A_55 {strides = array<i32>} : memref<1024x8x128xf32, #tpu.memory_space<vmem>>, vector<1024x1x128xf32>,
    %get3A_56 = arith.constant 1 : index
    %get3A_57 = arith.constant 0 : index
    %get3A_58 = arith.constant 0 : index
    %get3A_59 = vector.load %arg1[%get3A_56, %get3A_57, %get3A_58] : memref<8x1024x128xf32, #tpu.memory_space<vmem>>, vector<1x1024x128xf32>
    %get3A_60 = vector.shape_cast %get3A_59 : vector<1x1024x128xf32> to vector<1024x128xf32>
    %get3A_61 = arith.constant 0 : index
    %get3A_62 = arith.constant 0 : index
    %get3A_63 = vector.load %arg2[%get3A_61, %get3A_62] : memref<128x384xf32, #tpu.memory_space<vmem>>, vector<128x384xf32>
    %get3A_64 = arith.constant 0 : index
    %get3A_65 = arith.constant 0 : index
    %get3A_66 = vector.load %arg3[%get3A_64, %get3A_65] : memref<128x384xf32, #tpu.memory_space<vmem>>, vector<128x384xf32>
    %get3A_67 = arith.constant 0 : index
    %get3A_68 = arith.constant 0 : index
    %get3A_69 = vector.load %arg4[%get3A_67, %get3A_68] : memref<1x384xf32, #tpu.memory_space<vmem>>, vector<1x384xf32>
    %get3A_70 = arith.constant 0 : index
    %get3A_71 = arith.constant 0 : index
    %get3A_72 = vector.load %arg5[%get3A_70, %get3A_71] : memref<1x384xf32, #tpu.memory_space<vmem>>, vector<1x384xf32>
    %dot_general3A_73 = arith.constant dense<0.000000e+00> : vector<1024x384xf32>
    %dot_general3A_74 = tpu.matmul %get3A_60, %get3A_63, %dot_general3A_73 {dimension_numbers = #tpu.dot_dimension_numbers<[1], [0], [0], [1], [0, 0, 1, 1], [], []>, transpose_lhs_hint = false} : vector<1024x128xf32>, vector<128x384xf32>, vector<1024x384xf32> -> vector<1024x384xf32>
    %add3A_75 = vector.broadcast %get3A_69 : vector<1x384xf32> to vector<1024x384xf32>
    %add3A_76 = arith.addf %dot_general3A_74, %add3A_75 : vector<1024x384xf32>
    %dot_general3A_77 = arith.constant dense<0.000000e+00> : vector<1024x384xf32>
    %dot_general3A_78 = tpu.matmul %add3A_50, %get3A_66, %dot_general3A_77 {dimension_numbers = #tpu.dot_dimension_numbers<[1], [0], [0], [1], [0, 0, 1, 1], [], []>, transpose_lhs_hint = false} : vector<1024x128xf32>, vector<128x384xf32>, vector<1024x384xf32> -> vector<1024x384xf32>
    %add3A_79 = vector.broadcast %get3A_72 : vector<1x384xf32> to vector<1024x384xf32>
    %add3A_80 = arith.addf %dot_general3A_78, %add3A_79 : vector<1024x384xf32>
    %slice3A_81 = vector.extract_strided_slice %add3A_76 {offsets = [0, 0], sizes = [1024, 128], strides = [1, 1]} : vector<1024x384xf32> to vector<1024x128xf32>
    %slice3A_82 = vector.extract_strided_slice %add3A_80 {offsets = [0, 0], sizes = [1024, 128], strides = [1, 1]} : vector<1024x384xf32> to vector<1024x128xf32>
    %add3A_83 = arith.addf %slice3A_81, %slice3A_82 : vector<1024x128xf32>
    %logistic3A_84 = arith.negf %add3A_83 : vector<1024x128xf32>
    %logistic3A_85 = math.exp %logistic3A_84 : vector<1024x128xf32>
    %logistic3A_86 = arith.constant 1.000000e+00 : f32
    %logistic3A_87 = vector.broadcast %logistic3A_86 : f32 to vector<1024x128xf32>
    %logistic3A_88 = arith.addf %logistic3A_87, %logistic3A_85 : vector<1024x128xf32>
    %logistic3A_89 = arith.divf %logistic3A_87, %logistic3A_88 : vector<1024x128xf32>
    %slice3A_90 = vector.extract_strided_slice %add3A_76 {offsets = [0, 128], sizes = [1024, 128], strides = [1, 1]} : vector<1024x384xf32> to vector<1024x128xf32>
    %slice3A_91 = vector.extract_strided_slice %add3A_80 {offsets = [0, 128], sizes = [1024, 128], strides = [1, 1]} : vector<1024x384xf32> to vector<1024x128xf32>
    %add3A_92 = arith.addf %slice3A_90, %slice3A_91 : vector<1024x128xf32>
    %logistic3A_93 = arith.negf %add3A_92 : vector<1024x128xf32>
    %logistic3A_94 = math.exp %logistic3A_93 : vector<1024x128xf32>
    %logistic3A_95 = arith.constant 1.000000e+00 : f32
    %logistic3A_96 = vector.broadcast %logistic3A_95 : f32 to vector<1024x128xf32>
    %logistic3A_97 = arith.addf %logistic3A_96, %logistic3A_94 : vector<1024x128xf32>
    %logistic3A_98 = arith.divf %logistic3A_96, %logistic3A_97 : vector<1024x128xf32>
    %slice3A_99 = vector.extract_strided_slice %add3A_76 {offsets = [0, 256], sizes = [1024, 128], strides = [1, 1]} : vector<1024x384xf32> to vector<1024x128xf32>
    %slice3A_100 = vector.extract_strided_slice %add3A_80 {offsets = [0, 256], sizes = [1024, 128], strides = [1, 1]} : vector<1024x384xf32> to vector<1024x128xf32>
    %mul3A_101 = arith.mulf %logistic3A_89, %slice3A_100 : vector<1024x128xf32>
    %add3A_102 = arith.addf %slice3A_99, %mul3A_101 : vector<1024x128xf32>
    %tanh3A_103 = math.tanh %add3A_102 : vector<1024x128xf32>
    %sub3A_104 = arith.constant 1.000000e+00 : f32
    %sub3A_105 = vector.broadcast %sub3A_104 : f32 to vector<1024x128xf32>
    %sub3A_106 = arith.subf %sub3A_105, %logistic3A_98 : vector<1024x128xf32>
    %mul3A_107 = arith.mulf %sub3A_106, %tanh3A_103 : vector<1024x128xf32>
    %mul3A_108 = arith.mulf %logistic3A_98, %add3A_50 : vector<1024x128xf32>
    %add3A_109 = arith.addf %mul3A_107, %mul3A_108 : vector<1024x128xf32>
    %swap3A_110 = arith.constant 0 : index
    %swap3A_111 = arith.constant 1 : index
    %swap3A_112 = arith.constant 0 : index
    %swap3A_113 = vector.load %arg8[%swap3A_110, %swap3A_111, %swap3A_112] : memref<1024x8x128xf32, #tpu.memory_space<vmem>>, vector<1024x1x128xf32>
    %swap3A_114 = vector.shape_cast %swap3A_113 : vector<1024x1x128xf32> to vector<1024x128xf32>
    %swap3A_115 = vector.shape_cast %add3A_109 : vector<1024x128xf32> to vector<1024x1x128xf32>
    tpu.vector_store %arg8[%swap3A_110, %swap3A_111, %swap3A_112], %swap3A_115 {strides = array<i32>} : memref<1024x8x128xf32, #tpu.memory_space<vmem>>, vector<1024x1x128xf32>,
    %get3A_116 = arith.constant 2 : index
    %get3A_117 = arith.constant 0 : index
    %get3A_118 = arith.constant 0 : index
    %get3A_119 = vector.load %arg1[%get3A_116, %get3A_117, %get3A_118] : memref<8x1024x128xf32, #tpu.memory_space<vmem>>, vector<1x1024x128xf32>
    %get3A_120 = vector.shape_cast %get3A_119 : vector<1x1024x128xf32> to vector<1024x128xf32>
    %get3A_121 = arith.constant 0 : index
    %get3A_122 = arith.constant 0 : index
    %get3A_123 = vector.load %arg2[%get3A_121, %get3A_122] : memref<128x384xf32, #tpu.memory_space<vmem>>, vector<128x384xf32>
    %get3A_124 = arith.constant 0 : index
    %get3A_125 = arith.constant 0 : index
    %get3A_126 = vector.load %arg3[%get3A_124, %get3A_125] : memref<128x384xf32, #tpu.memory_space<vmem>>, vector<128x384xf32>
    %get3A_127 = arith.constant 0 : index
    %get3A_128 = arith.constant 0 : index
    %get3A_129 = vector.load %arg4[%get3A_127, %get3A_128] : memref<1x384xf32, #tpu.memory_space<vmem>>, vector<1x384xf32>
    %get3A_130 = arith.constant 0 : index
    %get3A_131 = arith.constant 0 : index
    %get3A_132 = vector.load %arg5[%get3A_130, %get3A_131] : memref<1x384xf32, #tpu.memory_space<vmem>>, vector<1x384xf32>
    %dot_general3A_133 = arith.constant dense<0.000000e+00> : vector<1024x384xf32>
    %dot_general3A_134 = tpu.matmul %get3A_120, %get3A_123, %dot_general3A_133 {dimension_numbers = #tpu.dot_dimension_numbers<[1], [0], [0], [1], [0, 0, 1, 1], [], []>, transpose_lhs_hint = false} : vector<1024x128xf32>, vector<128x384xf32>, vector<1024x384xf32> -> vector<1024x384xf32>
    %add3A_135 = vector.broadcast %get3A_129 : vector<1x384xf32> to vector<1024x384xf32>
    %add3A_136 = arith.addf %dot_general3A_134, %add3A_135 : vector<1024x384xf32>
    %dot_general3A_137 = arith.constant dense<0.000000e+00> : vector<1024x384xf32>
    %dot_general3A_138 = tpu.matmul %add3A_109, %get3A_126, %dot_general3A_137 {dimension_numbers = #tpu.dot_dimension_numbers<[1], [0], [0], [1], [0, 0, 1, 1], [], []>, transpose_lhs_hint = false} : vector<1024x128xf32>, vector<128x384xf32>, vector<1024x384xf32> -> vector<1024x384xf32>
    %add3A_139 = vector.broadcast %get3A_132 : vector<1x384xf32> to vector<1024x384xf32>
    %add3A_140 = arith.addf %dot_general3A_138, %add3A_139 : vector<1024x384xf32>
    %slice3A_141 = vector.extract_strided_slice %add3A_136 {offsets = [0, 0], sizes = [1024, 128], strides = [1, 1]} : vector<1024x384xf32> to vector<1024x128xf32>
    %slice3A_142 = vector.extract_strided_slice %add3A_140 {offsets = [0, 0], sizes = [1024, 128], strides = [1, 1]} : vector<1024x384xf32> to vector<1024x128xf32>
    %add3A_143 = arith.addf %slice3A_141, %slice3A_142 : vector<1024x128xf32>
    %logistic3A_144 = arith.negf %add3A_143 : vector<1024x128xf32>
    %logistic3A_145 = math.exp %logistic3A_144 : vector<1024x128xf32>
    %logistic3A_146 = arith.constant 1.000000e+00 : f32
    %logistic3A_147 = vector.broadcast %logistic3A_146 : f32 to vector<1024x128xf32>
    %logistic3A_148 = arith.addf %logistic3A_147, %logistic3A_145 : vector<1024x128xf32>
    %logistic3A_149 = arith.divf %logistic3A_147, %logistic3A_148 : vector<1024x128xf32>
    %slice3A_150 = vector.extract_strided_slice %add3A_136 {offsets = [0, 128], sizes = [1024, 128], strides = [1, 1]} : vector<1024x384xf32> to vector<1024x128xf32>
    %slice3A_151 = vector.extract_strided_slice %add3A_140 {offsets = [0, 128], sizes = [1024, 128], strides = [1, 1]} : vector<1024x384xf32> to vector<1024x128xf32>
    %add3A_152 = arith.addf %slice3A_150, %slice3A_151 : vector<1024x128xf32>
    %logistic3A_153 = arith.negf %add3A_152 : vector<1024x128xf32>
    %logistic3A_154 = math.exp %logistic3A_153 : vector<1024x128xf32>
    %logistic3A_155 = arith.constant 1.000000e+00 : f32
    %logistic3A_156 = vector.broadcast %logistic3A_155 : f32 to vector<1024x128xf32>
    %logistic3A_157 = arith.addf %logistic3A_156, %logistic3A_154 : vector<1024x128xf32>
    %logistic3A_158 = arith.divf %logistic3A_156, %logistic3A_157 : vector<1024x128xf32>
    %slice3A_159 = vector.extract_strided_slice %add3A_136 {offsets = [0, 256], sizes = [1024, 128], strides = [1, 1]} : vector<1024x384xf32> to vector<1024x128xf32>
    %slice3A_160 = vector.extract_strided_slice %add3A_140 {offsets = [0, 256], sizes = [1024, 128], strides = [1, 1]} : vector<1024x384xf32> to vector<1024x128xf32>
    %mul3A_161 = arith.mulf %logistic3A_149, %slice3A_160 : vector<1024x128xf32>
    %add3A_162 = arith.addf %slice3A_159, %mul3A_161 : vector<1024x128xf32>
    %tanh3A_163 = math.tanh %add3A_162 : vector<1024x128xf32>
    %sub3A_164 = arith.constant 1.000000e+00 : f32
    %sub3A_165 = vector.broadcast %sub3A_164 : f32 to vector<1024x128xf32>
    %sub3A_166 = arith.subf %sub3A_165, %logistic3A_158 : vector<1024x128xf32>
    %mul3A_167 = arith.mulf %sub3A_166, %tanh3A_163 : vector<1024x128xf32>
    %mul3A_168 = arith.mulf %logistic3A_158, %add3A_109 : vector<1024x128xf32>
    %add3A_169 = arith.addf %mul3A_167, %mul3A_168 : vector<1024x128xf32>
    %swap3A_170 = arith.constant 0 : index
    %swap3A_171 = arith.constant 2 : index
    %swap3A_172 = arith.constant 0 : index
    %swap3A_173 = vector.load %arg8[%swap3A_170, %swap3A_171, %swap3A_172] : memref<1024x8x128xf32, #tpu.memory_space<vmem>>, vector<1024x1x128xf32>
    %swap3A_174 = vector.shape_cast %swap3A_173 : vector<1024x1x128xf32> to vector<1024x128xf32>
    %swap3A_175 = vector.shape_cast %add3A_169 : vector<1024x128xf32> to vector<1024x1x128xf32>
    tpu.vector_store %arg8[%swap3A_170, %swap3A_171, %swap3A_172], %swap3A_175 {strides = array<i32>} : memref<1024x8x128xf32, #tpu.memory_space<vmem>>, vector<1024x1x128xf32>,
    %get3A_176 = arith.constant 3 : index
    %get3A_177 = arith.constant 0 : index
    %get3A_178 = arith.constant 0 : index
    %get3A_179 = vector.load %arg1[%get3A_176, %get3A_177, %get3A_178] : memref<8x1024x128xf32, #tpu.memory_space<vmem>>, vector<1x1024x128xf32>
    %get3A_180 = vector.shape_cast %get3A_179 : vector<1x1024x128xf32> to vector<1024x128xf32>
    %get3A_181 = arith.constant 0 : index
    %get3A_182 = arith.constant 0 : index
    %get3A_183 = vector.load %arg2[%get3A_181, %get3A_182] : memref<128x384xf32, #tpu.memory_space<vmem>>, vector<128x384xf32>
    %get3A_184 = arith.constant 0 : index
    %get3A_185 = arith.constant 0 : index
    %get3A_186 = vector.load %arg3[%get3A_184, %get3A_185] : memref<128x384xf32, #tpu.memory_space<vmem>>, vector<128x384xf32>
    %get3A_187 = arith.constant 0 : index
    %get3A_188 = arith.constant 0 : index
    %get3A_189 = vector.load %arg4[%get3A_187, %get3A_188] : memref<1x384xf32, #tpu.memory_space<vmem>>, vector<1x384xf32>
    %get3A_190 = arith.constant 0 : index
    %get3A_191 = arith.constant 0 : index
    %get3A_192 = vector.load %arg5[%get3A_190, %get3A_191] : memref<1x384xf32, #tpu.memory_space<vmem>>, vector<1x384xf32>
    %dot_general3A_193 = arith.constant dense<0.000000e+00> : vector<1024x384xf32>
    %dot_general3A_194 = tpu.matmul %get3A_180, %get3A_183, %dot_general3A_193 {dimension_numbers = #tpu.dot_dimension_numbers<[1], [0], [0], [1], [0, 0, 1, 1], [], []>, transpose_lhs_hint = false} : vector<1024x128xf32>, vector<128x384xf32>, vector<1024x384xf32> -> vector<1024x384xf32>
    %add3A_195 = vector.broadcast %get3A_189 : vector<1x384xf32> to vector<1024x384xf32>
    %add3A_196 = arith.addf %dot_general3A_194, %add3A_195 : vector<1024x384xf32>
    %dot_general3A_197 = arith.constant dense<0.000000e+00> : vector<1024x384xf32>
    %dot_general3A_198 = tpu.matmul %add3A_169, %get3A_186, %dot_general3A_197 {dimension_numbers = #tpu.dot_dimension_numbers<[1], [0], [0], [1], [0, 0, 1, 1], [], []>, transpose_lhs_hint = false} : vector<1024x128xf32>, vector<128x384xf32>, vector<1024x384xf32> -> vector<1024x384xf32>
    %add3A_199 = vector.broadcast %get3A_192 : vector<1x384xf32> to vector<1024x384xf32>
    %add3A_200 = arith.addf %dot_general3A_198, %add3A_199 : vector<1024x384xf32>
    %slice3A_201 = vector.extract_strided_slice %add3A_196 {offsets = [0, 0], sizes = [1024, 128], strides = [1, 1]} : vector<1024x384xf32> to vector<1024x128xf32>
    %slice3A_202 = vector.extract_strided_slice %add3A_200 {offsets = [0, 0], sizes = [1024, 128], strides = [1, 1]} : vector<1024x384xf32> to vector<1024x128xf32>
    %add3A_203 = arith.addf %slice3A_201, %slice3A_202 : vector<1024x128xf32>
    %logistic3A_204 = arith.negf %add3A_203 : vector<1024x128xf32>
    %logistic3A_205 = math.exp %logistic3A_204 : vector<1024x128xf32>
    %logistic3A_206 = arith.constant 1.000000e+00 : f32
    %logistic3A_207 = vector.broadcast %logistic3A_206 : f32 to vector<1024x128xf32>
    %logistic3A_208 = arith.addf %logistic3A_207, %logistic3A_205 : vector<1024x128xf32>
    %logistic3A_209 = arith.divf %logistic3A_207, %logistic3A_208 : vector<1024x128xf32>
    %slice3A_210 = vector.extract_strided_slice %add3A_196 {offsets = [0, 128], sizes = [1024, 128], strides = [1, 1]} : vector<1024x384xf32> to vector<1024x128xf32>
    %slice3A_211 = vector.extract_strided_slice %add3A_200 {offsets = [0, 128], sizes = [1024, 128], strides = [1, 1]} : vector<1024x384xf32> to vector<1024x128xf32>
    %add3A_212 = arith.addf %slice3A_210, %slice3A_211 : vector<1024x128xf32>
    %logistic3A_213 = arith.negf %add3A_212 : vector<1024x128xf32>
    %logistic3A_214 = math.exp %logistic3A_213 : vector<1024x128xf32>
    %logistic3A_215 = arith.constant 1.000000e+00 : f32
    %logistic3A_216 = vector.broadcast %logistic3A_215 : f32 to vector<1024x128xf32>
    %logistic3A_217 = arith.addf %logistic3A_216, %logistic3A_214 : vector<1024x128xf32>
    %logistic3A_218 = arith.divf %logistic3A_216, %logistic3A_217 : vector<1024x128xf32>
    %slice3A_219 = vector.extract_strided_slice %add3A_196 {offsets = [0, 256], sizes = [1024, 128], strides = [1, 1]} : vector<1024x384xf32> to vector<1024x128xf32>
    %slice3A_220 = vector.extract_strided_slice %add3A_200 {offsets = [0, 256], sizes = [1024, 128], strides = [1, 1]} : vector<1024x384xf32> to vector<1024x128xf32>
    %mul3A_221 = arith.mulf %logistic3A_209, %slice3A_220 : vector<1024x128xf32>
    %add3A_222 = arith.addf %slice3A_219, %mul3A_221 : vector<1024x128xf32>
    %tanh3A_223 = math.tanh %add3A_222 : vector<1024x128xf32>
    %sub3A_224 = arith.constant 1.000000e+00 : f32
    %sub3A_225 = vector.broadcast %sub3A_224 : f32 to vector<1024x128xf32>
    %sub3A_226 = arith.subf %sub3A_225, %logistic3A_218 : vector<1024x128xf32>
    %mul3A_227 = arith.mulf %sub3A_226, %tanh3A_223 : vector<1024x128xf32>
    %mul3A_228 = arith.mulf %logistic3A_218, %add3A_169 : vector<1024x128xf32>
    %add3A_229 = arith.addf %mul3A_227, %mul3A_228 : vector<1024x128xf32>
    %swap3A_230 = arith.constant 0 : index
    %swap3A_231 = arith.constant 3 : index
    %swap3A_232 = arith.constant 0 : index
    %swap3A_233 = vector.load %arg8[%swap3A_230, %swap3A_231, %swap3A_232] : memref<1024x8x128xf32, #tpu.memory_space<vmem>>, vector<1024x1x128xf32>
    %swap3A_234 = vector.shape_cast %swap3A_233 : vector<1024x1x128xf32> to vector<1024x128xf32>
    %swap3A_235 = vector.shape_cast %add3A_229 : vector<1024x128xf32> to vector<1024x1x128xf32>
    tpu.vector_store %arg8[%swap3A_230, %swap3A_231, %swap3A_232], %swap3A_235 {strides = array<i32>} : memref<1024x8x128xf32, #tpu.memory_space<vmem>>, vector<1024x1x128xf32>,
    %get3A_236 = arith.constant 4 : index
    %get3A_237 = arith.constant 0 : index
    %get3A_238 = arith.constant 0 : index
    %get3A_239 = vector.load %arg1[%get3A_236, %get3A_237, %get3A_238] : memref<8x1024x128xf32, #tpu.memory_space<vmem>>, vector<1x1024x128xf32>
    %get3A_240 = vector.shape_cast %get3A_239 : vector<1x1024x128xf32> to vector<1024x128xf32>
    %get3A_241 = arith.constant 0 : index
    %get3A_242 = arith.constant 0 : index
    %get3A_243 = vector.load %arg2[%get3A_241, %get3A_242] : memref<128x384xf32, #tpu.memory_space<vmem>>, vector<128x384xf32>
    %get3A_244 = arith.constant 0 : index
    %get3A_245 = arith.constant 0 : index
    %get3A_246 = vector.load %arg3[%get3A_244, %get3A_245] : memref<128x384xf32, #tpu.memory_space<vmem>>, vector<128x384xf32>
    %get3A_247 = arith.constant 0 : index
    %get3A_248 = arith.constant 0 : index
    %get3A_249 = vector.load %arg4[%get3A_247, %get3A_248] : memref<1x384xf32, #tpu.memory_space<vmem>>, vector<1x384xf32>
    %get3A_250 = arith.constant 0 : index
    %get3A_251 = arith.constant 0 : index
    %get3A_252 = vector.load %arg5[%get3A_250, %get3A_251] : memref<1x384xf32, #tpu.memory_space<vmem>>, vector<1x384xf32>
    %dot_general3A_253 = arith.constant dense<0.000000e+00> : vector<1024x384xf32>
    %dot_general3A_254 = tpu.matmul %get3A_240, %get3A_243, %dot_general3A_253 {dimension_numbers = #tpu.dot_dimension_numbers<[1], [0], [0], [1], [0, 0, 1, 1], [], []>, transpose_lhs_hint = false} : vector<1024x128xf32>, vector<128x384xf32>, vector<1024x384xf32> -> vector<1024x384xf32>
    %add3A_255 = vector.broadcast %get3A_249 : vector<1x384xf32> to vector<1024x384xf32>
    %add3A_256 = arith.addf %dot_general3A_254, %add3A_255 : vector<1024x384xf32>
    %dot_general3A_257 = arith.constant dense<0.000000e+00> : vector<1024x384xf32>
    %dot_general3A_258 = tpu.matmul %add3A_229, %get3A_246, %dot_general3A_257 {dimension_numbers = #tpu.dot_dimension_numbers<[1], [0], [0], [1], [0, 0, 1, 1], [], []>, transpose_lhs_hint = false} : vector<1024x128xf32>, vector<128x384xf32>, vector<1024x384xf32> -> vector<1024x384xf32>
    %add3A_259 = vector.broadcast %get3A_252 : vector<1x384xf32> to vector<1024x384xf32>
    %add3A_260 = arith.addf %dot_general3A_258, %add3A_259 : vector<1024x384xf32>
    %slice3A_261 = vector.extract_strided_slice %add3A_256 {offsets = [0, 0], sizes = [1024, 128], strides = [1, 1]} : vector<1024x384xf32> to vector<1024x128xf32>
    %slice3A_262 = vector.extract_strided_slice %add3A_260 {offsets = [0, 0], sizes = [1024, 128], strides = [1, 1]} : vector<1024x384xf32> to vector<1024x128xf32>
    %add3A_263 = arith.addf %slice3A_261, %slice3A_262 : vector<1024x128xf32>
    %logistic3A_264 = arith.negf %add3A_263 : vector<1024x128xf32>
    %logistic3A_265 = math.exp %logistic3A_264 : vector<1024x128xf32>
    %logistic3A_266 = arith.constant 1.000000e+00 : f32
    %logistic3A_267 = vector.broadcast %logistic3A_266 : f32 to vector<1024x128xf32>
    %logistic3A_268 = arith.addf %logistic3A_267, %logistic3A_265 : vector<1024x128xf32>
    %logistic3A_269 = arith.divf %logistic3A_267, %logistic3A_268 : vector<1024x128xf32>
    %slice3A_270 = vector.extract_strided_slice %add3A_256 {offsets = [0, 128], sizes = [1024, 128], strides = [1, 1]} : vector<1024x384xf32> to vector<1024x128xf32>
    %slice3A_271 = vector.extract_strided_slice %add3A_260 {offsets = [0, 128], sizes = [1024, 128], strides = [1, 1]} : vector<1024x384xf32> to vector<1024x128xf32>
    %add3A_272 = arith.addf %slice3A_270, %slice3A_271 : vector<1024x128xf32>
    %logistic3A_273 = arith.negf %add3A_272 : vector<1024x128xf32>
    %logistic3A_274 = math.exp %logistic3A_273 : vector<1024x128xf32>
    %logistic3A_275 = arith.constant 1.000000e+00 : f32
    %logistic3A_276 = vector.broadcast %logistic3A_275 : f32 to vector<1024x128xf32>
    %logistic3A_277 = arith.addf %logistic3A_276, %logistic3A_274 : vector<1024x128xf32>
    %logistic3A_278 = arith.divf %logistic3A_276, %logistic3A_277 : vector<1024x128xf32>
    %slice3A_279 = vector.extract_strided_slice %add3A_256 {offsets = [0, 256], sizes = [1024, 128], strides = [1, 1]} : vector<1024x384xf32> to vector<1024x128xf32>
    %slice3A_280 = vector.extract_strided_slice %add3A_260 {offsets = [0, 256], sizes = [1024, 128], strides = [1, 1]} : vector<1024x384xf32> to vector<1024x128xf32>
    %mul3A_281 = arith.mulf %logistic3A_269, %slice3A_280 : vector<1024x128xf32>
    %add3A_282 = arith.addf %slice3A_279, %mul3A_281 : vector<1024x128xf32>
    %tanh3A_283 = math.tanh %add3A_282 : vector<1024x128xf32>
    %sub3A_284 = arith.constant 1.000000e+00 : f32
    %sub3A_285 = vector.broadcast %sub3A_284 : f32 to vector<1024x128xf32>
    %sub3A_286 = arith.subf %sub3A_285, %logistic3A_278 : vector<1024x128xf32>
    %mul3A_287 = arith.mulf %sub3A_286, %tanh3A_283 : vector<1024x128xf32>
    %mul3A_288 = arith.mulf %logistic3A_278, %add3A_229 : vector<1024x128xf32>
    %add3A_289 = arith.addf %mul3A_287, %mul3A_288 : vector<1024x128xf32>
    %swap3A_290 = arith.constant 0 : index
    %swap3A_291 = arith.constant 4 : index
    %swap3A_292 = arith.constant 0 : index
    %swap3A_293 = vector.load %arg8[%swap3A_290, %swap3A_291, %swap3A_292] : memref<1024x8x128xf32, #tpu.memory_space<vmem>>, vector<1024x1x128xf32>
    %swap3A_294 = vector.shape_cast %swap3A_293 : vector<1024x1x128xf32> to vector<1024x128xf32>
    %swap3A_295 = vector.shape_cast %add3A_289 : vector<1024x128xf32> to vector<1024x1x128xf32>
    tpu.vector_store %arg8[%swap3A_290, %swap3A_291, %swap3A_292], %swap3A_295 {strides = array<i32>} : memref<1024x8x128xf32, #tpu.memory_space<vmem>>, vector<1024x1x128xf32>,
    %get3A_296 = arith.constant 5 : index
    %get3A_297 = arith.constant 0 : index
    %get3A_298 = arith.constant 0 : index
    %get3A_299 = vector.load %arg1[%get3A_296, %get3A_297, %get3A_298] : memref<8x1024x128xf32, #tpu.memory_space<vmem>>, vector<1x1024x128xf32>
    %get3A_300 = vector.shape_cast %get3A_299 : vector<1x1024x128xf32> to vector<1024x128xf32>
    %get3A_301 = arith.constant 0 : index
    %get3A_302 = arith.constant 0 : index
    %get3A_303 = vector.load %arg2[%get3A_301, %get3A_302] : memref<128x384xf32, #tpu.memory_space<vmem>>, vector<128x384xf32>
    %get3A_304 = arith.constant 0 : index
    %get3A_305 = arith.constant 0 : index
    %get3A_306 = vector.load %arg3[%get3A_304, %get3A_305] : memref<128x384xf32, #tpu.memory_space<vmem>>, vector<128x384xf32>
    %get3A_307 = arith.constant 0 : index
    %get3A_308 = arith.constant 0 : index
    %get3A_309 = vector.load %arg4[%get3A_307, %get3A_308] : memref<1x384xf32, #tpu.memory_space<vmem>>, vector<1x384xf32>
    %get3A_310 = arith.constant 0 : index
    %get3A_311 = arith.constant 0 : index
    %get3A_312 = vector.load %arg5[%get3A_310, %get3A_311] : memref<1x384xf32, #tpu.memory_space<vmem>>, vector<1x384xf32>
    %dot_general3A_313 = arith.constant dense<0.000000e+00> : vector<1024x384xf32>
    %dot_general3A_314 = tpu.matmul %get3A_300, %get3A_303, %dot_general3A_313 {dimension_numbers = #tpu.dot_dimension_numbers<[1], [0], [0], [1], [0, 0, 1, 1], [], []>, transpose_lhs_hint = false} : vector<1024x128xf32>, vector<128x384xf32>, vector<1024x384xf32> -> vector<1024x384xf32>
    %add3A_315 = vector.broadcast %get3A_309 : vector<1x384xf32> to vector<1024x384xf32>
    %add3A_316 = arith.addf %dot_general3A_314, %add3A_315 : vector<1024x384xf32>
    %dot_general3A_317 = arith.constant dense<0.000000e+00> : vector<1024x384xf32>
    %dot_general3A_318 = tpu.matmul %add3A_289, %get3A_306, %dot_general3A_317 {dimension_numbers = #tpu.dot_dimension_numbers<[1], [0], [0], [1], [0, 0, 1, 1], [], []>, transpose_lhs_hint = false} : vector<1024x128xf32>, vector<128x384xf32>, vector<1024x384xf32> -> vector<1024x384xf32>
    %add3A_319 = vector.broadcast %get3A_312 : vector<1x384xf32> to vector<1024x384xf32>
    %add3A_320 = arith.addf %dot_general3A_318, %add3A_319 : vector<1024x384xf32>
    %slice3A_321 = vector.extract_strided_slice %add3A_316 {offsets = [0, 0], sizes = [1024, 128], strides = [1, 1]} : vector<1024x384xf32> to vector<1024x128xf32>
    %slice3A_322 = vector.extract_strided_slice %add3A_320 {offsets = [0, 0], sizes = [1024, 128], strides = [1, 1]} : vector<1024x384xf32> to vector<1024x128xf32>
    %add3A_323 = arith.addf %slice3A_321, %slice3A_322 : vector<1024x128xf32>
    %logistic3A_324 = arith.negf %add3A_323 : vector<1024x128xf32>
    %logistic3A_325 = math.exp %logistic3A_324 : vector<1024x128xf32>
    %logistic3A_326 = arith.constant 1.000000e+00 : f32
    %logistic3A_327 = vector.broadcast %logistic3A_326 : f32 to vector<1024x128xf32>
    %logistic3A_328 = arith.addf %logistic3A_327, %logistic3A_325 : vector<1024x128xf32>
    %logistic3A_329 = arith.divf %logistic3A_327, %logistic3A_328 : vector<1024x128xf32>
    %slice3A_330 = vector.extract_strided_slice %add3A_316 {offsets = [0, 128], sizes = [1024, 128], strides = [1, 1]} : vector<1024x384xf32> to vector<1024x128xf32>
    %slice3A_331 = vector.extract_strided_slice %add3A_320 {offsets = [0, 128], sizes = [1024, 128], strides = [1, 1]} : vector<1024x384xf32> to vector<1024x128xf32>
    %add3A_332 = arith.addf %slice3A_330, %slice3A_331 : vector<1024x128xf32>
    %logistic3A_333 = arith.negf %add3A_332 : vector<1024x128xf32>
    %logistic3A_334 = math.exp %logistic3A_333 : vector<1024x128xf32>
    %logistic3A_335 = arith.constant 1.000000e+00 : f32
    %logistic3A_336 = vector.broadcast %logistic3A_335 : f32 to vector<1024x128xf32>
    %logistic3A_337 = arith.addf %logistic3A_336, %logistic3A_334 : vector<1024x128xf32>
    %logistic3A_338 = arith.divf %logistic3A_336, %logistic3A_337 : vector<1024x128xf32>
    %slice3A_339 = vector.extract_strided_slice %add3A_316 {offsets = [0, 256], sizes = [1024, 128], strides = [1, 1]} : vector<1024x384xf32> to vector<1024x128xf32>
    %slice3A_340 = vector.extract_strided_slice %add3A_320 {offsets = [0, 256], sizes = [1024, 128], strides = [1, 1]} : vector<1024x384xf32> to vector<1024x128xf32>
    %mul3A_341 = arith.mulf %logistic3A_329, %slice3A_340 : vector<1024x128xf32>
    %add3A_342 = arith.addf %slice3A_339, %mul3A_341 : vector<1024x128xf32>
    %tanh3A_343 = math.tanh %add3A_342 : vector<1024x128xf32>
    %sub3A_344 = arith.constant 1.000000e+00 : f32
    %sub3A_345 = vector.broadcast %sub3A_344 : f32 to vector<1024x128xf32>
    %sub3A_346 = arith.subf %sub3A_345, %logistic3A_338 : vector<1024x128xf32>
    %mul3A_347 = arith.mulf %sub3A_346, %tanh3A_343 : vector<1024x128xf32>
    %mul3A_348 = arith.mulf %logistic3A_338, %add3A_289 : vector<1024x128xf32>
    %add3A_349 = arith.addf %mul3A_347, %mul3A_348 : vector<1024x128xf32>
    %swap3A_350 = arith.constant 0 : index
    %swap3A_351 = arith.constant 5 : index
    %swap3A_352 = arith.constant 0 : index
    %swap3A_353 = vector.load %arg8[%swap3A_350, %swap3A_351, %swap3A_352] : memref<1024x8x128xf32, #tpu.memory_space<vmem>>, vector<1024x1x128xf32>
    %swap3A_354 = vector.shape_cast %swap3A_353 : vector<1024x1x128xf32> to vector<1024x128xf32>
    %swap3A_355 = vector.shape_cast %add3A_349 : vector<1024x128xf32> to vector<1024x1x128xf32>
    tpu.vector_store %arg8[%swap3A_350, %swap3A_351, %swap3A_352], %swap3A_355 {strides = array<i32>} : memref<1024x8x128xf32, #tpu.memory_space<vmem>>, vector<1024x1x128xf32>,
    %get3A_356 = arith.constant 6 : index
    %get3A_357 = arith.constant 0 : index
    %get3A_358 = arith.constant 0 : index
    %get3A_359 = vector.load %arg1[%get3A_356, %get3A_357, %get3A_358] : memref<8x1024x128xf32, #tpu.memory_space<vmem>>, vector<1x1024x128xf32>
    %get3A_360 = vector.shape_cast %get3A_359 : vector<1x1024x128xf32> to vector<1024x128xf32>
    %get3A_361 = arith.constant 0 : index
    %get3A_362 = arith.constant 0 : index
    %get3A_363 = vector.load %arg2[%get3A_361, %get3A_362] : memref<128x384xf32, #tpu.memory_space<vmem>>, vector<128x384xf32>
    %get3A_364 = arith.constant 0 : index
    %get3A_365 = arith.constant 0 : index
    %get3A_366 = vector.load %arg3[%get3A_364, %get3A_365] : memref<128x384xf32, #tpu.memory_space<vmem>>, vector<128x384xf32>
    %get3A_367 = arith.constant 0 : index
    %get3A_368 = arith.constant 0 : index
    %get3A_369 = vector.load %arg4[%get3A_367, %get3A_368] : memref<1x384xf32, #tpu.memory_space<vmem>>, vector<1x384xf32>
    %get3A_370 = arith.constant 0 : index
    %get3A_371 = arith.constant 0 : index
    %get3A_372 = vector.load %arg5[%get3A_370, %get3A_371] : memref<1x384xf32, #tpu.memory_space<vmem>>, vector<1x384xf32>
    %dot_general3A_373 = arith.constant dense<0.000000e+00> : vector<1024x384xf32>
    %dot_general3A_374 = tpu.matmul %get3A_360, %get3A_363, %dot_general3A_373 {dimension_numbers = #tpu.dot_dimension_numbers<[1], [0], [0], [1], [0, 0, 1, 1], [], []>, transpose_lhs_hint = false} : vector<1024x128xf32>, vector<128x384xf32>, vector<1024x384xf32> -> vector<1024x384xf32>
    %add3A_375 = vector.broadcast %get3A_369 : vector<1x384xf32> to vector<1024x384xf32>
    %add3A_376 = arith.addf %dot_general3A_374, %add3A_375 : vector<1024x384xf32>
    %dot_general3A_377 = arith.constant dense<0.000000e+00> : vector<1024x384xf32>
    %dot_general3A_378 = tpu.matmul %add3A_349, %get3A_366, %dot_general3A_377 {dimension_numbers = #tpu.dot_dimension_numbers<[1], [0], [0], [1], [0, 0, 1, 1], [], []>, transpose_lhs_hint = false} : vector<1024x128xf32>, vector<128x384xf32>, vector<1024x384xf32> -> vector<1024x384xf32>
    %add3A_379 = vector.broadcast %get3A_372 : vector<1x384xf32> to vector<1024x384xf32>
    %add3A_380 = arith.addf %dot_general3A_378, %add3A_379 : vector<1024x384xf32>
    %slice3A_381 = vector.extract_strided_slice %add3A_376 {offsets = [0, 0], sizes = [1024, 128], strides = [1, 1]} : vector<1024x384xf32> to vector<1024x128xf32>
    %slice3A_382 = vector.extract_strided_slice %add3A_380 {offsets = [0, 0], sizes = [1024, 128], strides = [1, 1]} : vector<1024x384xf32> to vector<1024x128xf32>
    %add3A_383 = arith.addf %slice3A_381, %slice3A_382 : vector<1024x128xf32>
    %logistic3A_384 = arith.negf %add3A_383 : vector<1024x128xf32>
    %logistic3A_385 = math.exp %logistic3A_384 : vector<1024x128xf32>
    %logistic3A_386 = arith.constant 1.000000e+00 : f32
    %logistic3A_387 = vector.broadcast %logistic3A_386 : f32 to vector<1024x128xf32>
    %logistic3A_388 = arith.addf %logistic3A_387, %logistic3A_385 : vector<1024x128xf32>
    %logistic3A_389 = arith.divf %logistic3A_387, %logistic3A_388 : vector<1024x128xf32>
    %slice3A_390 = vector.extract_strided_slice %add3A_376 {offsets = [0, 128], sizes = [1024, 128], strides = [1, 1]} : vector<1024x384xf32> to vector<1024x128xf32>
    %slice3A_391 = vector.extract_strided_slice %add3A_380 {offsets = [0, 128], sizes = [1024, 128], strides = [1, 1]} : vector<1024x384xf32> to vector<1024x128xf32>
    %add3A_392 = arith.addf %slice3A_390, %slice3A_391 : vector<1024x128xf32>
    %logistic3A_393 = arith.negf %add3A_392 : vector<1024x128xf32>
    %logistic3A_394 = math.exp %logistic3A_393 : vector<1024x128xf32>
    %logistic3A_395 = arith.constant 1.000000e+00 : f32
    %logistic3A_396 = vector.broadcast %logistic3A_395 : f32 to vector<1024x128xf32>
    %logistic3A_397 = arith.addf %logistic3A_396, %logistic3A_394 : vector<1024x128xf32>
    %logistic3A_398 = arith.divf %logistic3A_396, %logistic3A_397 : vector<1024x128xf32>
    %slice3A_399 = vector.extract_strided_slice %add3A_376 {offsets = [0, 256], sizes = [1024, 128], strides = [1, 1]} : vector<1024x384xf32> to vector<1024x128xf32>
    %slice3A_400 = vector.extract_strided_slice %add3A_380 {offsets = [0, 256], sizes = [1024, 128], strides = [1, 1]} : vector<1024x384xf32> to vector<1024x128xf32>
    %mul3A_401 = arith.mulf %logistic3A_389, %slice3A_400 : vector<1024x128xf32>
    %add3A_402 = arith.addf %slice3A_399, %mul3A_401 : vector<1024x128xf32>
    %tanh3A_403 = math.tanh %add3A_402 : vector<1024x128xf32>
    %sub3A_404 = arith.constant 1.000000e+00 : f32
    %sub3A_405 = vector.broadcast %sub3A_404 : f32 to vector<1024x128xf32>
    %sub3A_406 = arith.subf %sub3A_405, %logistic3A_398 : vector<1024x128xf32>
    %mul3A_407 = arith.mulf %sub3A_406, %tanh3A_403 : vector<1024x128xf32>
    %mul3A_408 = arith.mulf %logistic3A_398, %add3A_349 : vector<1024x128xf32>
    %add3A_409 = arith.addf %mul3A_407, %mul3A_408 : vector<1024x128xf32>
    %swap3A_410 = arith.constant 0 : index
    %swap3A_411 = arith.constant 6 : index
    %swap3A_412 = arith.constant 0 : index
    %swap3A_413 = vector.load %arg8[%swap3A_410, %swap3A_411, %swap3A_412] : memref<1024x8x128xf32, #tpu.memory_space<vmem>>, vector<1024x1x128xf32>
    %swap3A_414 = vector.shape_cast %swap3A_413 : vector<1024x1x128xf32> to vector<1024x128xf32>
    %swap3A_415 = vector.shape_cast %add3A_409 : vector<1024x128xf32> to vector<1024x1x128xf32>
    tpu.vector_store %arg8[%swap3A_410, %swap3A_411, %swap3A_412], %swap3A_415 {strides = array<i32>} : memref<1024x8x128xf32, #tpu.memory_space<vmem>>, vector<1024x1x128xf32>,
    %get3A_416 = arith.constant 7 : index
    %get3A_417 = arith.constant 0 : index
    %get3A_418 = arith.constant 0 : index
    %get3A_419 = vector.load %arg1[%get3A_416, %get3A_417, %get3A_418] : memref<8x1024x128xf32, #tpu.memory_space<vmem>>, vector<1x1024x128xf32>
    %get3A_420 = vector.shape_cast %get3A_419 : vector<1x1024x128xf32> to vector<1024x128xf32>
    %get3A_421 = arith.constant 0 : index
    %get3A_422 = arith.constant 0 : index
    %get3A_423 = vector.load %arg2[%get3A_421, %get3A_422] : memref<128x384xf32, #tpu.memory_space<vmem>>, vector<128x384xf32>
    %get3A_424 = arith.constant 0 : index
    %get3A_425 = arith.constant 0 : index
    %get3A_426 = vector.load %arg3[%get3A_424, %get3A_425] : memref<128x384xf32, #tpu.memory_space<vmem>>, vector<128x384xf32>
    %get3A_427 = arith.constant 0 : index
    %get3A_428 = arith.constant 0 : index
    %get3A_429 = vector.load %arg4[%get3A_427, %get3A_428] : memref<1x384xf32, #tpu.memory_space<vmem>>, vector<1x384xf32>
    %get3A_430 = arith.constant 0 : index
    %get3A_431 = arith.constant 0 : index
    %get3A_432 = vector.load %arg5[%get3A_430, %get3A_431] : memref<1x384xf32, #tpu.memory_space<vmem>>, vector<1x384xf32>
    %dot_general3A_433 = arith.constant dense<0.000000e+00> : vector<1024x384xf32>
    %dot_general3A_434 = tpu.matmul %get3A_420, %get3A_423, %dot_general3A_433 {dimension_numbers = #tpu.dot_dimension_numbers<[1], [0], [0], [1], [0, 0, 1, 1], [], []>, transpose_lhs_hint = false} : vector<1024x128xf32>, vector<128x384xf32>, vector<1024x384xf32> -> vector<1024x384xf32>
    %add3A_435 = vector.broadcast %get3A_429 : vector<1x384xf32> to vector<1024x384xf32>
    %add3A_436 = arith.addf %dot_general3A_434, %add3A_435 : vector<1024x384xf32>
    %dot_general3A_437 = arith.constant dense<0.000000e+00> : vector<1024x384xf32>
    %dot_general3A_438 = tpu.matmul %add3A_409, %get3A_426, %dot_general3A_437 {dimension_numbers = #tpu.dot_dimension_numbers<[1], [0], [0], [1], [0, 0, 1, 1], [], []>, transpose_lhs_hint = false} : vector<1024x128xf32>, vector<128x384xf32>, vector<1024x384xf32> -> vector<1024x384xf32>
    %add3A_439 = vector.broadcast %get3A_432 : vector<1x384xf32> to vector<1024x384xf32>
    %add3A_440 = arith.addf %dot_general3A_438, %add3A_439 : vector<1024x384xf32>
    %slice3A_441 = vector.extract_strided_slice %add3A_436 {offsets = [0, 0], sizes = [1024, 128], strides = [1, 1]} : vector<1024x384xf32> to vector<1024x128xf32>
    %slice3A_442 = vector.extract_strided_slice %add3A_440 {offsets = [0, 0], sizes = [1024, 128], strides = [1, 1]} : vector<1024x384xf32> to vector<1024x128xf32>
    %add3A_443 = arith.addf %slice3A_441, %slice3A_442 : vector<1024x128xf32>
    %logistic3A_444 = arith.negf %add3A_443 : vector<1024x128xf32>
    %logistic3A_445 = math.exp %logistic3A_444 : vector<1024x128xf32>
    %logistic3A_446 = arith.constant 1.000000e+00 : f32
    %logistic3A_447 = vector.broadcast %logistic3A_446 : f32 to vector<1024x128xf32>
    %logistic3A_448 = arith.addf %logistic3A_447, %logistic3A_445 : vector<1024x128xf32>
    %logistic3A_449 = arith.divf %logistic3A_447, %logistic3A_448 : vector<1024x128xf32>
    %slice3A_450 = vector.extract_strided_slice %add3A_436 {offsets = [0, 128], sizes = [1024, 128], strides = [1, 1]} : vector<1024x384xf32> to vector<1024x128xf32>
    %slice3A_451 = vector.extract_strided_slice %add3A_440 {offsets = [0, 128], sizes = [1024, 128], strides = [1, 1]} : vector<1024x384xf32> to vector<1024x128xf32>
    %add3A_452 = arith.addf %slice3A_450, %slice3A_451 : vector<1024x128xf32>
    %logistic3A_453 = arith.negf %add3A_452 : vector<1024x128xf32>
    %logistic3A_454 = math.exp %logistic3A_453 : vector<1024x128xf32>
    %logistic3A_455 = arith.constant 1.000000e+00 : f32
    %logistic3A_456 = vector.broadcast %logistic3A_455 : f32 to vector<1024x128xf32>
    %logistic3A_457 = arith.addf %logistic3A_456, %logistic3A_454 : vector<1024x128xf32>
    %logistic3A_458 = arith.divf %logistic3A_456, %logistic3A_457 : vector<1024x128xf32>
    %slice3A_459 = vector.extract_strided_slice %add3A_436 {offsets = [0, 256], sizes = [1024, 128], strides = [1, 1]} : vector<1024x384xf32> to vector<1024x128xf32>
    %slice3A_460 = vector.extract_strided_slice %add3A_440 {offsets = [0, 256], sizes = [1024, 128], strides = [1, 1]} : vector<1024x384xf32> to vector<1024x128xf32>
    %mul3A_461 = arith.mulf %logistic3A_449, %slice3A_460 : vector<1024x128xf32>
    %add3A_462 = arith.addf %slice3A_459, %mul3A_461 : vector<1024x128xf32>
    %tanh3A_463 = math.tanh %add3A_462 : vector<1024x128xf32>
    %sub3A_464 = arith.constant 1.000000e+00 : f32
    %sub3A_465 = vector.broadcast %sub3A_464 : f32 to vector<1024x128xf32>
    %sub3A_466 = arith.subf %sub3A_465, %logistic3A_458 : vector<1024x128xf32>
    %mul3A_467 = arith.mulf %sub3A_466, %tanh3A_463 : vector<1024x128xf32>
    %mul3A_468 = arith.mulf %logistic3A_458, %add3A_409 : vector<1024x128xf32>
    %add3A_469 = arith.addf %mul3A_467, %mul3A_468 : vector<1024x128xf32>
    %swap3A_470 = arith.constant 0 : index
    %swap3A_471 = arith.constant 7 : index
    %swap3A_472 = arith.constant 0 : index
    %swap3A_473 = vector.load %arg8[%swap3A_470, %swap3A_471, %swap3A_472] : memref<1024x8x128xf32, #tpu.memory_space<vmem>>, vector<1024x1x128xf32>
    %swap3A_474 = vector.shape_cast %swap3A_473 : vector<1024x1x128xf32> to vector<1024x128xf32>
    %swap3A_475 = vector.shape_cast %add3A_469 : vector<1024x128xf32> to vector<1024x1x128xf32>
    tpu.vector_store %arg8[%swap3A_470, %swap3A_471, %swap3A_472], %swap3A_475 {strides = array<i32>} : memref<1024x8x128xf32, #tpu.memory_space<vmem>>, vector<1024x1x128xf32>,
    %swap3A_476 = arith.constant 0 : index
    %swap3A_477 = arith.constant 0 : index
    %swap3A_478 = vector.load %arg9[%swap3A_476, %swap3A_477] : memref<1024x128xf32, #tpu.memory_space<vmem>>, vector<1024x128xf32>
    tpu.vector_store %arg9[%swap3A_476, %swap3A_477], %add3A_469 {strides = array<i32>} : memref<1024x128xf32, #tpu.memory_space<vmem>>, vector<1024x128xf32>,
    return
  }
  func.func @transform_0(%arg0: i32) -> (i32, i32, i32) {
    %c0_i32 = arith.constant 0 : i32
    %c0_i32_0 = arith.constant 0 : i32
    %c0_i32_1 = arith.constant 0 : i32
    return %arg0, %c0_i32, %c0_i32_0 : i32, i32, i32
  }
  func.func @transform_1(%arg0: i32) -> (i32, i32) {
    %c0_i32 = arith.constant 0 : i32
    %c0_i32_0 = arith.constant 0 : i32
    %c0_i32_1 = arith.constant 0 : i32
    return %c0_i32, %c0_i32_0 : i32, i32
  }
  func.func @transform_2(%arg0: i32) -> (i32, i32) {
    %c0_i32 = arith.constant 0 : i32
    %c0_i32_0 = arith.constant 0 : i32
    %c0_i32_1 = arith.constant 0 : i32
    return %c0_i32, %c0_i32_0 : i32, i32
  }
  func.func @transform_3(%arg0: i32) -> (i32, i32) {
    %c0_i32 = arith.constant 0 : i32
    %c0_i32_0 = arith.constant 0 : i32
    %c0_i32_1 = arith.constant 0 : i32
    return %c0_i32, %c0_i32_0 : i32, i32
  }
  func.func @transform_4(%arg0: i32) -> (i32, i32) {
    %c0_i32 = arith.constant 0 : i32
    %c0_i32_0 = arith.constant 0 : i32
    %c0_i32_1 = arith.constant 0 : i32
    return %c0_i32, %c0_i32_0 : i32, i32
  }
  func.func @transform_5(%arg0: i32) -> (i32, i32) {
    %c0_i32 = arith.constant 0 : i32
    %c0_i32_0 = arith.constant 0 : i32
    %c0_i32_1 = arith.constant 0 : i32
    return %c0_i32, %c0_i32_0 : i32, i32
  }
  func.func @transform_7(%arg0: i32) -> (i32, i32, i32) {
    %add3A = arith.constant 2 : i32
    %add3A_0 = arith.addi %arg0, %add3A : i32
    %c0_i32 = arith.constant 0 : i32
    %c0_i32_1 = arith.constant 0 : i32
    %c0_i32_2 = arith.constant 0 : i32
    return %c0_i32, %add3A_0, %c0_i32_1 : i32, i32, i32
  }
}

</mosaic_0001>

<sc_bundles>
// kernel: kernel.6.cloned.1.call-start
scs
__scs_entry_jumppad:
0x0: {  	(pc) =	sbr.rel $0x88, $3  }
0x1: {  	(tag) =	ssettag $0x0;
	lr =	simm.s32 $0x1  }
0x2: {  	[smem:$0x3F9B] =	sst lr;
	_ =	strace $0xD0000000  }
0x3: {  	_ = 	snop  }
0x4: {  	_ = 	snop  }
0x5: {  	_ = 	snop  }
0x6: {  	_ = 	snop  }
0x7: {  	_ = 	snop  }
__scs_overlays_trampoline_lowered:
0x8: {  	[smem:$0x3FAA] =	sst s0  }
0x9: {  	[smem:$0x3FAB] =	sst s1  }
0xa: {  	[smem:$0x3FAC] =	sst s2  }
0xb: {  	[smem:$0x3FAD] =	sst s3  }
0xc: {  	[smem:$0x3FAE] =	sst s4  }
0xd: {  	[smem:$0x3FAF] =	sst s5  }
0xe: {  	[smem:$0x3FB0] =	sst s6  }
0xf: {  	[smem:$0x3FB1] =	sst s7  }
0x10: {  	[smem:$0x3FB2] =	sst s8  }
0x11: {  	[smem:$0x3FB3] =	sst s9;
	s0 =	simm.s32 @!p0 $0x0  }
0x12: {  	s1 =	sld [smem:$0x3F99];
	s0 =	simm.s32 @p0 $0x1  }
0x13: {  	[smem:$0x3FB4] =	sst s0;
	s0 =	simm.s32 @!p1 $0x0  }
0x14: {  	s2 =	sld [smem:$0x3F98];
	s0 =	simm.s32 @p1 $0x1  }
0x15: {  	[smem:$0x3FB5] =	sst s0;
	s0 =	simm.s32 @!p2 $0x0  }
0x16: {  	s3 =	sld [smem:$0x3FDB];
	s0 =	simm.s32 @p2 $0x1  }
0x17: {  	s4 =	simm.s32 $0x1BF5;
	[smem:$0x3FB7] =	sst s0  }
0x18: {  	s0 =	sld [smem:$0x3F9A];
	_ =	swait.ge [sflag:s4], $0x0  }
0x19: {  	s7 =	sld [smem:$0x3F9B]  }
0x1a: {  	s8 =	sadd.s32 $0xFFFFE003, lr  }
0x1b: {  	s9 =	sadd.s32 $0xFFFFFEF7, lr;
	s5 =	simm.s32 $0xFFFFFFFF;
	p2 =	slt.u32 s8, $0xFFFFF086  }
0x1c: {  	p1 =	slt.u32 s9, $0xF7A;
	s5 =	simm.s32 @!p2 $0x0  }
0x1d: {  	s5 =	simm.s32 @p1 $0x1;
	p0 =	seq.s32 s7, s2  }
0x1e: {  	s7 =	smul.u32 @!p0 $0xF7A, s2;
	p2 =	seq.s32 @!p0 s5, $0x0  }
0x1f: {  	s9 =	smul.u32 $0xF7A, s1;
	s8 =	simm.s32 @!p0 $0x1BF5;
	p2 =	por !p2, p0  }
0x20: {  	[sflag:s8] =	ssyncset.s32 @!p0 $0xFFFFF086;
	s6 =	sadd.s32 @!p0 s3, s7;
	s7 =	simm.s32 @!p0 $0x108  }
0x21: {  	s3 =	sadd.s32 s3, s9;
	s6 =	sadd.s32 @!p0 $0x88, s6;
	s7 =	simm.s32 @p2 $0x1082  }
0x22: {  	[simem:s7], [sflag:s8] =	dma.local @!p0 [hbm:s6], $0xF7A  }
0x23: {  	s9 =	sor.u32 $0xD0000000, s2;
	s6 =	simm.s32 $0x108;
	_ =	swait.ge @!p0 [sflag:s8], $0x0  }
0x24: {  	s3 =	sadd.s32 $0x88, s3;
	s6 =	simm.s32 @!p1 $0x1082;
	[sflag:s4] =	ssyncset.s32 $0xFFFFF086  }
0x25: {  	[simem:s6], [sflag:s4] =	dma.local [hbm:s3], $0xF7A  }
0x26: {  	[smem:$0x3F9B] =	sst s1;
	(tag) =	ssettag s2;
	_ =	strace s9  }
0x27: {  	s1 =	sld [smem:$0x3FAB]  }
0x28: {  	s2 =	sld [smem:$0x3FAC]  }
0x29: {  	s4 =	sld [smem:$0x3FAE]  }
0x2a: {  	p0 =	seq.s32 s5, $0x0;
	s5 =	sld [smem:$0x3FAF]  }
0x2b: {  	s6 =	sld [smem:$0x3FB0]  }
0x2c: {  	s7 =	sld [smem:$0x3FB1]  }
0x2d: {  	s3 =	simm.s32 $0x108;
	s8 =	sld [smem:$0x3FB2]  }
0x2e: {  	s3 =	simm.s32 @!p0 $0x1082;
	s9 =	sld [smem:$0x3FB3]  }
0x2f: {  	lr =	sadd.s32 s0, s3;
	s0 =	sld [smem:$0x3FAA]  }
0x30: {  	s3 =	sld [smem:$0x3FAD]  }
0x31: {  	[smem:$0x3FB6] =	sst s10  }
0x32: {  	s10 =	sld [smem:$0x3FB4];
	_ =	sdelay $0x3  }
0x33: {  	p0 =	seq.s32 s10, $0x1;
	s10 =	sld [smem:$0x3FB6];
	_ =	sdelay $0x3  }
0x34: {  	[smem:$0x3FB6] =	sst s10  }
0x35: {  	s10 =	sld [smem:$0x3FB5];
	_ =	sdelay $0x3  }
0x36: {  	p1 =	seq.s32 s10, $0x1;
	s10 =	sld [smem:$0x3FB6];
	_ =	sdelay $0x3  }
0x37: {  	[smem:$0x3FB6] =	sst s10  }
0x38: {  	s10 =	sld [smem:$0x3FB7]  }
0x39: {  	_ = 	snop;
	(pc) =	sbr.ind lr, $3  }
0x3a: {  	_ = 	snop  }
0x3b: {  	_ = 	snop  }
0x3c: {  	p2 =	seq.s32 s10, $0x1;
	s10 =	sld [smem:$0x3FB6]  }
0x3d: {  	_ =	shalt  }
0x3e: {  	_ =	shalt  }
0x3f: {  	_ =	shalt  }
0x40: {  	_ =	shalt  }
0x41: {  	_ =	shalt  }
0x42: {  	_ =	shalt  }
0x43: {  	_ =	shalt  }
0x44: {  	_ =	shalt  }
0x45: {  	_ =	shalt  }
0x46: {  	_ =	shalt  }
0x47: {  	_ =	shalt  }
0x48: {  	_ =	shalt  }
0x49: {  	_ =	shalt  }
0x4a: {  	_ =	shalt  }
0x4b: {  	_ =	shalt  }
0x4c: {  	_ =	shalt  }
0x4d: {  	_ =	shalt  }
0x4e: {  	_ =	shalt  }
0x4f: {  	_ =	shalt  }
0x50: {  	_ =	shalt  }
0x51: {  	_ =	shalt  }
0x52: {  	_ =	shalt  }
0x53: {  	_ =	shalt  }
0x54: {  	_ =	shalt  }
0x55: {  	_ =	shalt  }
0x56: {  	_ =	shalt  }
0x57: {  	_ =	shalt  }
0x58: {  	_ =	shalt  }
0x59: {  	_ =	shalt  }
0x5a: {  	_ =	shalt  }
0x5b: {  	_ =	shalt  }
0x5c: {  	_ =	shalt  }
0x5d: {  	_ =	shalt  }
0x5e: {  	_ =	shalt  }
0x5f: {  	_ =	shalt  }
0x60: {  	_ =	shalt  }
0x61: {  	_ =	shalt  }
0x62: {  	_ =	shalt  }
0x63: {  	_ =	shalt  }
0x64: {  	_ =	shalt  }
0x65: {  	_ =	shalt  }
0x66: {  	_ =	shalt  }
0x67: {  	_ =	shalt  }
0x68: {  	_ =	shalt  }
0x69: {  	_ =	shalt  }
0x6a: {  	_ =	shalt  }
0x6b: {  	_ =	shalt  }
0x6c: {  	_ =	shalt  }
0x6d: {  	_ =	shalt  }
0x6e: {  	_ =	shalt  }
0x6f: {  	_ =	shalt  }
0x70: {  	_ =	shalt  }
0x71: {  	_ =	shalt  }
0x72: {  	_ =	shalt  }
0x73: {  	_ =	shalt  }
0x74: {  	_ =	shalt  }
0x75: {  	_ =	shalt  }
0x76: {  	_ =	shalt  }
0x77: {  	_ =	shalt  }
0x78: {  	_ =	shalt  }
0x79: {  	_ =	shalt  }
0x7a: {  	_ =	shalt  }
0x7b: {  	_ =	shalt  }
0x7c: {  	_ =	shalt  }
0x7d: {  	_ =	shalt  }
0x7e: {  	_ =	shalt  }
0x7f: {  	_ =	shalt  }
0x80: {  	_ =	shalt  }
0x81: {  	_ =	shalt  }
0x82: {  	_ =	shalt  }
0x83: {  	_ =	shalt  }
0x84: {  	_ =	shalt  }
0x85: {  	_ =	shalt  }
0x86: {  	_ =	shalt  }
0x87: {  	_ =	shalt  }
.Lfunc_end0:
.L_simem_size_0:
called_computation_lowered:
.L_overlay_start_0:
0x88: {  	s2 =	sld [smem:$0x3FD9]  }
0x89: {  	s3 =	sld [smem:$0x3FFE];
	_ =	sdelay $0x1  }
0x8a: {  	s1 =	srdreg.scid  }
0x8b: {  	s0 =	sand.u32 $0x1, s1  }
0x8c: {  	s17 =	sshll.u32 s0, $0xA;
	s2 =	sadd.s32 s3, s2  }
0x8d: {  	s2 =	sadd.s32 s2, s17  }
0x8e: {  	[smem:$0x3FC2] =	sst s2  }
0x8f: {  	_ = 	snop  }
0x90: {  	s2 =	sld [smem:$0x3FC8];
	(tm) =	ssettm $0x1  }
0x91: {  	s18 =	sld [smem:$0x3FFB];
	_ =	sdelay $0x3  }
0x92: {  	_ =	strace s18  }
0x93: {  	s3 =	sld [smem:$0x3FFC];
	_ =	sdelay $0x3  }
0x94: {  	_ =	strace s3  }
0x95: {  	s3 =	sld [smem:$0x3FFD];
	_ =	sdelay $0x3  }
0x96: {  	_ =	strace s3  }
0x97: {  	_ =	strace $0x8FFFFFFF  }
0x98: {  	s19 =	sld [smem:$0x3FDB];
	_ =	sdelay $0x1  }
0x99: {  	s4 =	simm.s32 $_scs_section_size  }
0x9a: {  	s5 =	simm.s32 $_size__tile_overlayer_lowered;
	s6 =	simm.s32 $_tile_overlayer_lowered  }
0x9b: {  	s22 =	simm.s32 $0x1BFF;
	s21 =	sshll.u32 s6, $0x1;
	s3 =	sadd.s32 s4, s19  }
0x9c: {  	s7 =	simm.s32 $0x0;
	s20 =	sshll.u32 s5, $0x1;
	s5 =	sadd.s32 s21, s3  }
0x9d: {  	[timem:s7], [sflag:s22] =	dma.local [hbm:s5], s20  }
0x9e: {  	_ =	swait.ge [sflag:s22], s20  }
0x9f: {  	s4 =	ssub.s32 $0x0, s20;
	[sflag:s22] =	ssyncset.done $0x0  }
0xa0: {  	[sflag:s22] =	ssyncadd.s32 s4;
	_ =	sdelay $0x1  }
0xa1: {  	s23 =	simm.s32 $0x1B8B  }
0xa2: {  	_ =	swait.ge [sflag:s23], $0x1  }
0xa3: {  	[sflag:s23] =	ssyncset.done $0x0  }
0xa4: {  	s25 =	simm.s32 $0x1B8E;
	s24 =	sld [smem:$0x3FFE];
	[sflag:s23] =	ssyncadd.s32 $0xFFFFFFFF  }
0xa5: {  	s26 =	simm.s32 $execute0_lowered;
	[smem:$0x3FD2] =	sst s25  }
0xa6: {  	s5 =	sshll.u32 s26, $0x1;
	_ =	strace $0x80000046;
	[dreg:$0x1] =	wrdreg $0xFFFFFFFF  }
0xa7: {  	s28 =	simm.s32 $_size_execute0_lowered;
	s3 =	sadd.s32 s3, s5;
	[dreg:$0x0] =	wrdreg $0x0  }
0xa8: {  	s5 =	sshll.u32 s28, $0x1;
	[dreg:$0x2] =	wrdreg s3  }
0xa9: {  	[dreg:$0x3] =	wrdreg s5  }
0xaa: {  	[dreg:$0x4] =	wrdreg $0xC0  }
0xab: {  	_ =	task [dreg:s7], $0x5FFFF  }
0xac: {  	[dreg:$0x1] =	wrdreg $0xFFFFFFFF  }
0xad: {  	[dreg:$0x0] =	wrdreg $0x60  }
0xae: {  	[dreg:$0x2] =	wrdreg s24  }
0xaf: {  	[dreg:$0x3] =	wrdreg s2  }
0xb0: {  	[dreg:$0x4] =	wrdreg $0x9  }
0xb1: {  	_ =	task.clear_ibuf [dreg:s7], $0x5FFFF;
	_ =	strace $0x90000046  }
0xb2: {  	s29 =	simm.s32 $0x9;
	_ =	strace $0x80000048  }
0xb3: {  	_ =	swait.ge [sflag:s29], $0x1  }
0xb4: {  	[sflag:s29] =	ssyncadd.s32 $0xFFFFFFFF  }
0xb5: {  	_ =	strace $0x90000048  }
0xb6: {  	_ =	sfence  }
0xb7: {  	s30 =	sld [smem:$0x0];
	_ =	sdelay $0x2  }
0xb8: {  	s31 =	sshll.u32 s1, $0xD;
	s1 =	sshrl.u32 s1, $0x2  }
0xb9: {  	s3 =	sand.u32 $0x4000, s31;
	s1 =	sadd.s32 s1, s30  }
0xba: {  	s0 =	sor.u32 s3, s0;
	s1 =	sshll.u32 s1, $0x11  }
0xbb: {  	s0 =	sor.u32 s1, s0  }
0xbc: {  	s0 =	sadd.s32 $0x8F2B, s0  }
0xbd: {  	[sflag:s0] =	ssyncadd.remote.s32 $0x1  }
0xbe: {  	_ =	sfence.sel $0xFFFF  }
0xbf: {  	[dreg:$0x0] =	wrdreg $0xFFFFFFFF;
	(pc) =	sbr.abs _section_cstart, $3  }
0xc0: {  	[dreg:$0x1] =	wrdreg $0xFFFFFFFF  }
0xc1: {  	_ =	task.clear_ibuf [dreg:s7], $0x2FFFF;
	_ =	strace $0x9FFFFFFF  }
0xc2: {  	(tm) =	ssettm $0x7FFFFFFF  }
0xc3: {  	_ =	shalt  }
tec
execute0_lowered:
.L_overlay_start_1:
0x0: {  	(tag) =	ssettag $0x1  }
0x1: {  	s1 =	srdreg.scid  }
0x2: {  	s0 =	stileid.u32;
	s12 =	sand.u32 $0x1, s1  }
0x3: {  	s31 =	sshll.u32 s0, $0xA;
	s3 =	sshll.u32 s12, $0x9  }
0x4: {  	s10 =	rddreg [dreg:$0x0];
	s11 =	sor.u32 s3, s31  }
0x5: {  	s2 =	rddreg [dreg:$0x1];
	s3 =	simm.s32 $0x0;
	s4 =	sshrl.u32 s11, $0x3  }
0x6: {  	s5 =	simm.s32 $0x5;
	[smem:$0x7FF] =	sst s3;
	s4 =	sadd.s32 s4, s10  }
0x7: {  	s1 =	rddreg [dreg:$0x2];
	_ =	strace $0x80000047;
	s4 =	sadd.s32 $0x1800, s4  }
0x8: {  	[tilespmem:s3], [sflag:$0x5] =	stream.linear.gather [hbm4b:s4+s3], $0x200, $0x38;
	[tilespmem:$0x10200] =	vst v63  }
0x9: {  	_ =	swait.ge [sflag:s5], $0x200  }
0xa: {  	[sflag:s5] =	ssyncset.done $0x0  }
0xb: {  	s6 =	simm.s32 $0x100;
	s7 =	simm.s32 $0x200;
	[sflag:s5] =	ssyncadd.s32 $0xFFFFFE00  }
0xc: {  	[tilespmem:s7], [sflag:$0x1] =	stream.indirect.gather [hbm4b:s2+s6], $0x80, s3, s6, $0xb8;
	[tilespmem:$0x10200] =	vst v63  }
0xd: {  	s8 =	simm.s32 $0x8200;
	s9 =	simm.s32 $0x1  }
0xe: {  	[tilespmem:s8], [sflag:$0x2] =	stream.indirect.gather [hbm4b:s2+s6], $0x80, s6, s6, $0xb8;
	[tilespmem:$0x10200] =	vst v63  }
0xf: {  	s14 =	ssub.s32 $0x2, s12;
	s11 =	sshll.u32 s11, $0x4;
	_ =	swait.ge [sflag:s9], $0x8000  }
0x10: {  	s15 =	sshrl.u32 s14, $0x1;
	s13 =	sadd.s32 s11, s10;
	[sflag:s9] =	ssyncset.done $0x0  }
0x11: {  	s11 =	simm.s32 $0x2;
	s10 =	sadd.s32 $0x2000, s13;
	[sflag:s9] =	ssyncadd.s32 $0xFFFF8000  }
0x12: {  	[hbm4b:s10+s3] =	stream.linear.scatter [tilespmem:s7], [sflag:$0x3], $0x8000, $0x38;
	[tilespmem:$0x10200] =	vst v63  }
0x13: {  	s14 =	ssub.s32 s14, s15;
	_ =	swait.ge [sflag:s11], $0x8000  }
0x14: {  	s15 =	smax.u32 s14, $0x1;
	s12 =	sadd.s32 $0x3000, s13;
	[sflag:s11] =	ssyncset.done $0x0  }
0x15: {  	s13 =	simm.s32 $0x3;
	p0 =	sne.s32 s15, $0x1;
	[sflag:s11] =	ssyncadd.s32 $0xFFFF8000  }
0x16: {  	[hbm4b:s12+s3] =	stream.linear.scatter [tilespmem:s8], [sflag:$0x4], $0x8000, $0x38;
	[tilespmem:$0x10200] =	vst v63  }
.Ltmp0:
0x17: {  	_ =	swait.ge [sflag:s13], $0x8000;
	(pc) =	sbr.rel @!p0 .LBB2_2-.Ltmp0, $4  }
0x18: {  	[sflag:s13] =	ssyncset.done $0x0  }
0x19: {  	s14 =	simm.s32 $0x4;
	[sflag:s13] =	ssyncadd.s32 $0xFFFF8000  }
0x1a: {  	_ =	swait.ge [sflag:s14], $0x8000  }
0x1b: {  	s15 =	sadd.s32 $0xFFFFFFFF, s15;
	[sflag:s14] =	ssyncset.done $0x0  }
.LBB2_1:
0x1c: {  	p0 =	sne.s32 s15, $0x1;
	s15 =	sadd.s32 $0xFFFFFFFF, s15;
	[sflag:s14] =	ssyncadd.s32 $0xFFFF8000  }
0x1d: {  	[tilespmem:s3], [sflag:$0x5] =	stream.linear.gather [hbm4b:s4+s3], $0x200, $0x38;
	[tilespmem:$0x10200] =	vst v63  }
0x1e: {  	_ =	swait.ge [sflag:s5], $0x200  }
0x1f: {  	[sflag:s5] =	ssyncset.done $0x0  }
0x20: {  	[sflag:s5] =	ssyncadd.s32 $0xFFFFFE00  }
0x21: {  	[tilespmem:s7], [sflag:$0x1] =	stream.indirect.gather [hbm4b:s2+s6], $0x80, s3, s6, $0xb8;
	[tilespmem:$0x10200] =	vst v63  }
0x22: {  	_ = 	snop  }
0x23: {  	[tilespmem:s8], [sflag:$0x2] =	stream.indirect.gather [hbm4b:s2+s6], $0x80, s6, s6, $0xb8;
	[tilespmem:$0x10200] =	vst v63  }
0x24: {  	_ =	swait.ge [sflag:s9], $0x8000  }
0x25: {  	[sflag:s9] =	ssyncset.done $0x0  }
0x26: {  	[sflag:s9] =	ssyncadd.s32 $0xFFFF8000  }
0x27: {  	[hbm4b:s10+s3] =	stream.linear.scatter [tilespmem:s7], [sflag:$0x3], $0x8000, $0x38;
	[tilespmem:$0x10200] =	vst v63  }
0x28: {  	_ =	swait.ge [sflag:s11], $0x8000  }
0x29: {  	[sflag:s11] =	ssyncset.done $0x0  }
0x2a: {  	[sflag:s11] =	ssyncadd.s32 $0xFFFF8000  }
0x2b: {  	[hbm4b:s12+s3] =	stream.linear.scatter [tilespmem:s8], [sflag:$0x4], $0x8000, $0x38;
	[tilespmem:$0x10200] =	vst v63  }
.Ltmp1:
0x2c: {  	_ =	swait.ge [sflag:s13], $0x8000;
	(pc) =	sbr.rel @p0 .LBB2_1-.Ltmp1, $4  }
0x2d: {  	[sflag:s13] =	ssyncset.done $0x0  }
0x2e: {  	[sflag:s13] =	ssyncadd.s32 $0xFFFF8000  }
0x2f: {  	_ =	swait.ge [sflag:s14], $0x8000  }
0x30: {  	[sflag:s14] =	ssyncset.done $0x0  }
.LBB2_2:
0x31: {  	[sflag:s14] =	ssyncadd.s32 $0xFFFF8000  }
0x32: {  	_ =	sfence.sel $0x180000  }
0x33: {  	[bflag:$0x0] =	sbarrier.arrive $0xFFFF  }
0x34: {  	p0 =	sne.s32 s0, $0x0;
	_ =	strace $0x90000047  }
0x35: {  	s0 =	sadd.s32 @!p0 $0x100000, s1;
	[bflag:$0x2] =	sbarrier.arrive $0xFFFF  }
0x36: {  	[sflag:s0] =	ssyncadd.tile.s32 @!p0 $0x1;
	_ =	shalt  }
.Lfunc_end2:
_tile_overlayer_lowered:
.L_overlay_start_2:
0x37: {  	(tag) =	ssettag $0x2  }
0x38: {  	s0 =	rddreg [dreg:$0x0];
	s2 =	stileid.u32  }
0x39: {  	s1 =	rddreg [dreg:$0x1];
	p0 =	sne.s32 s2, $0x0  }
0x3a: {  	s3 =	rddreg [dreg:$0x2];
	[bflag:$0x3] =	sbarrier.arrive $0xFFFF;
	s2 =	simm.s32 @!p0 $0x1C05  }
0x3b: {  	[timem:s3], [sflag:s2] =	dma.local @!p0 [hbm:s0], s1  }
0x3c: {  	s0 =	simm.s32 @!p0 $0x5  }
0x3d: {  	_ =	swait.ge @!p0 [sflag:s0], s1  }
0x3e: {  	s1 =	ssub.s32 @!p0 $0x0, s1;
	[sflag:s0] =	ssyncset.done @!p0 $0x0  }
0x3f: {  	[sflag:s0] =	ssyncadd.s32 @!p0 s1  }
0x40: {  	[bflag:$0x3] =	sbarrier.arrive $0xFFFF  }
0x41: {  	_ =	shalt  }

// kernel: kernel.9.cloned.1.call-start
scs
__scs_entry_jumppad:
0x0: {  	(pc) =	sbr.rel $0x88, $3  }
0x1: {  	(tag) =	ssettag $0x0;
	lr =	simm.s32 $0x1  }
0x2: {  	[smem:$0x3F9B] =	sst lr;
	_ =	strace $0xD0000000  }
0x3: {  	_ = 	snop  }
0x4: {  	_ = 	snop  }
0x5: {  	_ = 	snop  }
0x6: {  	_ = 	snop  }
0x7: {  	_ = 	snop  }
__scs_overlays_trampoline_lowered:
0x8: {  	[smem:$0x3FAA] =	sst s0  }
0x9: {  	[smem:$0x3FAB] =	sst s1  }
0xa: {  	[smem:$0x3FAC] =	sst s2  }
0xb: {  	[smem:$0x3FAD] =	sst s3  }
0xc: {  	[smem:$0x3FAE] =	sst s4  }
0xd: {  	[smem:$0x3FAF] =	sst s5  }
0xe: {  	[smem:$0x3FB0] =	sst s6  }
0xf: {  	[smem:$0x3FB1] =	sst s7  }
0x10: {  	[smem:$0x3FB2] =	sst s8  }
0x11: {  	[smem:$0x3FB3] =	sst s9;
	s0 =	simm.s32 @!p0 $0x0  }
0x12: {  	s1 =	sld [smem:$0x3F99];
	s0 =	simm.s32 @p0 $0x1  }
0x13: {  	[smem:$0x3FB4] =	sst s0;
	s0 =	simm.s32 @!p1 $0x0  }
0x14: {  	s2 =	sld [smem:$0x3F98];
	s0 =	simm.s32 @p1 $0x1  }
0x15: {  	[smem:$0x3FB5] =	sst s0;
	s0 =	simm.s32 @!p2 $0x0  }
0x16: {  	s3 =	sld [smem:$0x3FDB];
	s0 =	simm.s32 @p2 $0x1  }
0x17: {  	s4 =	simm.s32 $0x1BF5;
	[smem:$0x3FB7] =	sst s0  }
0x18: {  	s0 =	sld [smem:$0x3F9A];
	_ =	swait.ge [sflag:s4], $0x0  }
0x19: {  	s7 =	sld [smem:$0x3F9B]  }
0x1a: {  	s8 =	sadd.s32 $0xFFFFE003, lr  }
0x1b: {  	s9 =	sadd.s32 $0xFFFFFEF7, lr;
	s5 =	simm.s32 $0xFFFFFFFF;
	p2 =	slt.u32 s8, $0xFFFFF086  }
0x1c: {  	p1 =	slt.u32 s9, $0xF7A;
	s5 =	simm.s32 @!p2 $0x0  }
0x1d: {  	s5 =	simm.s32 @p1 $0x1;
	p0 =	seq.s32 s7, s2  }
0x1e: {  	s7 =	smul.u32 @!p0 $0xF7A, s2;
	p2 =	seq.s32 @!p0 s5, $0x0  }
0x1f: {  	s9 =	smul.u32 $0xF7A, s1;
	s8 =	simm.s32 @!p0 $0x1BF5;
	p2 =	por !p2, p0  }
0x20: {  	[sflag:s8] =	ssyncset.s32 @!p0 $0xFFFFF086;
	s6 =	sadd.s32 @!p0 s3, s7;
	s7 =	simm.s32 @!p0 $0x108  }
0x21: {  	s3 =	sadd.s32 s3, s9;
	s6 =	sadd.s32 @!p0 $0x88, s6;
	s7 =	simm.s32 @p2 $0x1082  }
0x22: {  	[simem:s7], [sflag:s8] =	dma.local @!p0 [hbm:s6], $0xF7A  }
0x23: {  	s9 =	sor.u32 $0xD0000000, s2;
	s6 =	simm.s32 $0x108;
	_ =	swait.ge @!p0 [sflag:s8], $0x0  }
0x24: {  	s3 =	sadd.s32 $0x88, s3;
	s6 =	simm.s32 @!p1 $0x1082;
	[sflag:s4] =	ssyncset.s32 $0xFFFFF086  }
0x25: {  	[simem:s6], [sflag:s4] =	dma.local [hbm:s3], $0xF7A  }
0x26: {  	[smem:$0x3F9B] =	sst s1;
	(tag) =	ssettag s2;
	_ =	strace s9  }
0x27: {  	s1 =	sld [smem:$0x3FAB]  }
0x28: {  	s2 =	sld [smem:$0x3FAC]  }
0x29: {  	s4 =	sld [smem:$0x3FAE]  }
0x2a: {  	p0 =	seq.s32 s5, $0x0;
	s5 =	sld [smem:$0x3FAF]  }
0x2b: {  	s6 =	sld [smem:$0x3FB0]  }
0x2c: {  	s7 =	sld [smem:$0x3FB1]  }
0x2d: {  	s3 =	simm.s32 $0x108;
	s8 =	sld [smem:$0x3FB2]  }
0x2e: {  	s3 =	simm.s32 @!p0 $0x1082;
	s9 =	sld [smem:$0x3FB3]  }
0x2f: {  	lr =	sadd.s32 s0, s3;
	s0 =	sld [smem:$0x3FAA]  }
0x30: {  	s3 =	sld [smem:$0x3FAD]  }
0x31: {  	[smem:$0x3FB6] =	sst s10  }
0x32: {  	s10 =	sld [smem:$0x3FB4];
	_ =	sdelay $0x3  }
0x33: {  	p0 =	seq.s32 s10, $0x1;
	s10 =	sld [smem:$0x3FB6];
	_ =	sdelay $0x3  }
0x34: {  	[smem:$0x3FB6] =	sst s10  }
0x35: {  	s10 =	sld [smem:$0x3FB5];
	_ =	sdelay $0x3  }
0x36: {  	p1 =	seq.s32 s10, $0x1;
	s10 =	sld [smem:$0x3FB6];
	_ =	sdelay $0x3  }
0x37: {  	[smem:$0x3FB6] =	sst s10  }
0x38: {  	s10 =	sld [smem:$0x3FB7]  }
0x39: {  	_ = 	snop;
	(pc) =	sbr.ind lr, $3  }
0x3a: {  	_ = 	snop  }
0x3b: {  	_ = 	snop  }
0x3c: {  	p2 =	seq.s32 s10, $0x1;
	s10 =	sld [smem:$0x3FB6]  }
0x3d: {  	_ =	shalt  }
0x3e: {  	_ =	shalt  }
0x3f: {  	_ =	shalt  }
0x40: {  	_ =	shalt  }
0x41: {  	_ =	shalt  }
0x42: {  	_ =	shalt  }
0x43: {  	_ =	shalt  }
0x44: {  	_ =	shalt  }
0x45: {  	_ =	shalt  }
0x46: {  	_ =	shalt  }
0x47: {  	_ =	shalt  }
0x48: {  	_ =	shalt  }
0x49: {  	_ =	shalt  }
0x4a: {  	_ =	shalt  }
0x4b: {  	_ =	shalt  }
0x4c: {  	_ =	shalt  }
0x4d: {  	_ =	shalt  }
0x4e: {  	_ =	shalt  }
0x4f: {  	_ =	shalt  }
0x50: {  	_ =	shalt  }
0x51: {  	_ =	shalt  }
0x52: {  	_ =	shalt  }
0x53: {  	_ =	shalt  }
0x54: {  	_ =	shalt  }
0x55: {  	_ =	shalt  }
0x56: {  	_ =	shalt  }
0x57: {  	_ =	shalt  }
0x58: {  	_ =	shalt  }
0x59: {  	_ =	shalt  }
0x5a: {  	_ =	shalt  }
0x5b: {  	_ =	shalt  }
0x5c: {  	_ =	shalt  }
0x5d: {  	_ =	shalt  }
0x5e: {  	_ =	shalt  }
0x5f: {  	_ =	shalt  }
0x60: {  	_ =	shalt  }
0x61: {  	_ =	shalt  }
0x62: {  	_ =	shalt  }
0x63: {  	_ =	shalt  }
0x64: {  	_ =	shalt  }
0x65: {  	_ =	shalt  }
0x66: {  	_ =	shalt  }
0x67: {  	_ =	shalt  }
0x68: {  	_ =	shalt  }
0x69: {  	_ =	shalt  }
0x6a: {  	_ =	shalt  }
0x6b: {  	_ =	shalt  }
0x6c: {  	_ =	shalt  }
0x6d: {  	_ =	shalt  }
0x6e: {  	_ =	shalt  }
0x6f: {  	_ =	shalt  }
0x70: {  	_ =	shalt  }
0x71: {  	_ =	shalt  }
0x72: {  	_ =	shalt  }
0x73: {  	_ =	shalt  }
0x74: {  	_ =	shalt  }
0x75: {  	_ =	shalt  }
0x76: {  	_ =	shalt  }
0x77: {  	_ =	shalt  }
0x78: {  	_ =	shalt  }
0x79: {  	_ =	shalt  }
0x7a: {  	_ =	shalt  }
0x7b: {  	_ =	shalt  }
0x7c: {  	_ =	shalt  }
0x7d: {  	_ =	shalt  }
0x7e: {  	_ =	shalt  }
0x7f: {  	_ =	shalt  }
0x80: {  	_ =	shalt  }
0x81: {  	_ =	shalt  }
0x82: {  	_ =	shalt  }
0x83: {  	_ =	shalt  }
0x84: {  	_ =	shalt  }
0x85: {  	_ =	shalt  }
0x86: {  	_ =	shalt  }
0x87: {  	_ =	shalt  }
.Lfunc_end0:
.L_simem_size_0:
called_computation.1_lowered:
.L_overlay_start_0:
0x88: {  	s2 =	sld [smem:$0x3FD9]  }
0x89: {  	s3 =	sld [smem:$0x3FFE];
	_ =	sdelay $0x1  }
0x8a: {  	s1 =	srdreg.scid  }
0x8b: {  	s0 =	sand.u32 $0x1, s1  }
0x8c: {  	s16 =	sshll.u32 s0, $0xA;
	s2 =	sadd.s32 s3, s2  }
0x8d: {  	s2 =	sadd.s32 s2, s16  }
0x8e: {  	[smem:$0x3FC2] =	sst s2  }
0x8f: {  	_ = 	snop  }
0x90: {  	s17 =	sld [smem:$0x3FD0];
	_ =	sdelay $0x2  }
0x91: {  	s5 =	simm.s32 $0xB;
	s4 =	simm.s32 $0x10;
	s2 =	sld [smem:$0x3FC8]  }
0x92: {  	[smem:s4], [sflag:s5] =	dma.local [hbm:s17], $0x1  }
0x93: {  	_ =	swait.eq [sflag:s5], $0x1  }
0x94: {  	[sflag:s5] =	ssyncset.done $0x0  }
0x95: {  	s18 =	sld [smem:$0x10];
	[sflag:s5] =	ssyncadd.s32 $0xFFFFFFFF  }
0x96: {  	s19 =	sld [smem:$0x11];
	(tm) =	ssettm $0x1  }
0x97: {  	s20 =	sld [smem:$0x3FFB];
	_ =	sdelay $0x3  }
0x98: {  	_ =	strace s20  }
0x99: {  	s3 =	sld [smem:$0x3FFC];
	_ =	sdelay $0x3  }
0x9a: {  	_ =	strace s3  }
0x9b: {  	s3 =	sld [smem:$0x3FFD];
	_ =	sdelay $0x3  }
0x9c: {  	_ =	strace s3  }
0x9d: {  	_ =	strace $0x8FFFFFFF  }
0x9e: {  	s21 =	sld [smem:$0x3FDB];
	_ =	sdelay $0x1  }
0x9f: {  	s6 =	simm.s32 $_scs_section_size  }
0xa0: {  	s7 =	simm.s32 $_size__tile_overlayer_lowered;
	s8 =	simm.s32 $_tile_overlayer_lowered  }
0xa1: {  	s9 =	simm.s32 $0x1BFF;
	s22 =	sshll.u32 s8, $0x1;
	s6 =	sadd.s32 s6, s21  }
0xa2: {  	s23 =	simm.s32 $0x0;
	s7 =	sshll.u32 s7, $0x1;
	s8 =	sadd.s32 s22, s6  }
0xa3: {  	[timem:s23], [sflag:s9] =	dma.local [hbm:s8], s7  }
0xa4: {  	_ =	swait.ge [sflag:s9], s7  }
0xa5: {  	s7 =	ssub.s32 $0x0, s7;
	[sflag:s9] =	ssyncset.done $0x0  }
0xa6: {  	[sflag:s9] =	ssyncadd.s32 s7;
	_ =	sdelay $0x1  }
0xa7: {  	s24 =	simm.s32 $0x1B8B  }
0xa8: {  	_ =	swait.ge [sflag:s24], $0x1  }
0xa9: {  	[sflag:s24] =	ssyncset.done $0x0  }
0xaa: {  	[sflag:s24] =	ssyncadd.s32 $0xFFFFFFFF  }
0xab: {  	s7 =	sld [smem:$0x0]  }
0xac: {  	s8 =	sand.u32 $0xFFFFFFFE, s1  }
0xad: {  	p0 =	sne.s32 s1, s8  }
0xae: {  	s8 =	sshll.u32 @p0 s8, $0xE  }
0xaf: {  	s8 =	sadd.s32 @p0 $0x11B8D, s8;
	s9 =	sshll.u32 @p0 s7, $0x11  }
0xb0: {  	s8 =	sor.u32 @p0 s9, s8  }
0xb1: {  	[sflag:s8] =	ssyncadd.remote.s32 @p0 $0x1;
	_ =	sdelay $0x1  }
0xb2: {  	s8 =	simm.s32 @p0 $0x1B8D  }
0xb3: {  	_ =	swait.eq @p0 [sflag:s8], $0x1  }
0xb4: {  	[sflag:s8] =	ssyncadd.s32 @p0 $0xFFFFFFFF  }
0xb5: {  	s9 =	sshll.u32 @!p0 s1, $0xE  }
0xb6: {  	s9 =	sor.u32 @!p0 $0x4000, s9;
	s8 =	simm.s32 @!p0 $0x1B8D  }
0xb7: {  	s7 =	sshll.u32 @!p0 s7, $0x11;
	s9 =	sadd.s32 @!p0 $0x11B8D, s9;
	_ =	swait.eq @!p0 [sflag:s8], $0x1  }
0xb8: {  	s7 =	sor.u32 @!p0 s7, s9;
	[sflag:s8] =	ssyncadd.s32 @!p0 $0xFFFFFFFF  }
0xb9: {  	s25 =	simm.s32 $0x1B8E;
	[sflag:s7] =	ssyncadd.remote.s32 @!p0 $0x1  }
0xba: {  	s26 =	simm.s32 $execute0_lowered;
	[smem:$0x3FD2] =	sst s25  }
0xbb: {  	s7 =	sshll.u32 s26, $0x1;
	_ =	strace $0x80000049;
	[dreg:$0x1] =	wrdreg $0xFFFFFFFF  }
0xbc: {  	s28 =	simm.s32 $_size_execute0_lowered;
	s6 =	sadd.s32 s6, s7;
	[dreg:$0x0] =	wrdreg $0x0  }
0xbd: {  	s7 =	sshll.u32 s28, $0x1;
	[dreg:$0x2] =	wrdreg s6  }
0xbe: {  	[dreg:$0x3] =	wrdreg s7  }
0xbf: {  	[dreg:$0x4] =	wrdreg $0xC0  }
0xc0: {  	_ =	task [dreg:s23], $0x5FFFF  }
0xc1: {  	[dreg:$0x1] =	wrdreg $0xFFFFFFFF  }
0xc2: {  	[dreg:$0x0] =	wrdreg $0x60  }
0xc3: {  	[dreg:$0x2] =	wrdreg s19  }
0xc4: {  	[dreg:$0x3] =	wrdreg s2  }
0xc5: {  	[dreg:$0x4] =	wrdreg s18  }
0xc6: {  	[dreg:$0x5] =	wrdreg $0xA  }
0xc7: {  	_ =	task.clear_ibuf [dreg:s23], $0x6FFFF;
	_ =	strace $0x90000049  }
0xc8: {  	s29 =	simm.s32 $0xA;
	_ =	strace $0x8000004B  }
0xc9: {  	_ =	swait.ge [sflag:s29], $0x1  }
0xca: {  	[sflag:s29] =	ssyncadd.s32 $0xFFFFFFFF  }
0xcb: {  	_ =	strace $0x9000004B  }
0xcc: {  	_ =	sfence  }
0xcd: {  	s30 =	sld [smem:$0x0];
	_ =	sdelay $0x2  }
0xce: {  	s31 =	sshll.u32 s1, $0xD;
	s1 =	sshrl.u32 s1, $0x2  }
0xcf: {  	s4 =	sand.u32 $0x4000, s31;
	s1 =	sadd.s32 s1, s30  }
0xd0: {  	s0 =	sor.u32 s4, s0;
	s1 =	sshll.u32 s1, $0x11  }
0xd1: {  	s0 =	sor.u32 s1, s0  }
0xd2: {  	s0 =	sadd.s32 $0x8F2B, s0  }
0xd3: {  	[sflag:s0] =	ssyncadd.remote.s32 $0x1  }
0xd4: {  	_ =	sfence.sel $0xFFFF  }
0xd5: {  	[dreg:$0x0] =	wrdreg $0xFFFFFFFF;
	(pc) =	sbr.abs _section_cstart, $3  }
0xd6: {  	[dreg:$0x1] =	wrdreg $0xFFFFFFFF  }
0xd7: {  	_ =	task.clear_ibuf [dreg:s23], $0x2FFFF;
	_ =	strace $0x9FFFFFFF  }
0xd8: {  	(tm) =	ssettm $0x7FFFFFFF  }
0xd9: {  	_ =	shalt  }
tec
execute0_lowered:
.L_overlay_start_1:
0x0: {  	(tag) =	ssettag $0x1  }
0x1: {  	s4 =	rddreg [dreg:$0x0]  }
0x2: {  	s1 =	srdreg.scid;
	s0 =	stileid.u32  }
0x3: {  	s2 =	rddreg [dreg:$0x1];
	s18 =	sand.u32 $0x1, s1;
	s30 =	sshll.u32 s0, $0x1  }
0x4: {  	s14 =	rddreg [dreg:$0x2];
	s12 =	sor.u32 s18, s30  }
0x5: {  	s3 =	simm.s32 $0x0;
	s1 =	rddreg [dreg:$0x3];
	s5 =	smul.u32 $0x88, s12  }
0x6: {  	[smem:$0x7FF] =	sst s3  }
0x7: {  	_ =	strace $0x8000004A;
	s4 =	sadd.s32 s4, s5;
	s5 =	simm.s32 $0x5  }
0x8: {  	[tilespmem:s3], [sflag:$0x5] =	stream.linear.gather [hbm4b:s4+s3], $0x440, $0x38;
	[tilespmem:$0x11480] =	vst v63  }
0x9: {  	_ =	swait.ge [sflag:s5], $0x440  }
0xa: {  	[sflag:s5] =	ssyncset.done $0x0  }
0xb: {  	s6 =	simm.s32 $0x110;
	s7 =	simm.s32 $0x480;
	[sflag:s5] =	ssyncadd.s32 $0xFFFFFBC0  }
0xc: {  	[tilespmem:s7], [sflag:$0x1] =	stream.indirect.gather [hbm4b:s2+s6], $0x80, s3, s6, $0xb8;
	[tilespmem:$0x11480] =	vst v63  }
0xd: {  	s8 =	simm.s32 $0x8C80;
	s9 =	simm.s32 $0x1  }
0xe: {  	[tilespmem:s8], [sflag:$0x2] =	stream.indirect.gather [hbm4b:s2+s6], $0x80, s6, s6, $0xb8;
	[tilespmem:$0x11480] =	vst v63  }
0xf: {  	s10 =	smul.u32 $0x4400, s12;
	_ =	swait.ge [sflag:s9], $0x8800  }
0x10: {  	[sflag:s9] =	ssyncset.done $0x0  }
0x11: {  	s11 =	simm.s32 $0x3;
	s10 =	sadd.s32 s14, s10;
	[sflag:s9] =	ssyncadd.s32 $0xFFFF7800  }
0x12: {  	[hbm4b:s10+s3] =	stream.linear.scatter [tilespmem:s7], [sflag:$0x3], $0x8800, $0x38;
	[tilespmem:$0x11480] =	vst v63  }
0x13: {  	_ =	swait.ge [sflag:s11], $0x8800  }
0x14: {  	s13 =	simm.s32 $0x2;
	[sflag:s11] =	ssyncset.done $0x0  }
0x15: {  	s15 =	smul.u32 $0x22000, s12;
	s12 =	simm.s32 $0x220;
	[sflag:s11] =	ssyncadd.s32 $0xFFFF7800  }
0x16: {  	[tilespmem:s7], [sflag:$0x1] =	stream.indirect.gather [hbm4b:s2+s6], $0x80, s12, s6, $0xb8;
	[tilespmem:$0x11480] =	vst v63  }
0x17: {  	s15 =	sshrl.u32 s15, $0x3;
	_ =	swait.ge [sflag:s13], $0x8800  }
0x18: {  	s19 =	sadd.s32 s14, s15;
	[sflag:s13] =	ssyncset.done $0x0  }
0x19: {  	s14 =	simm.s32 $0x4;
	s15 =	sadd.s32 $0x1100, s19;
	[sflag:s13] =	ssyncadd.s32 $0xFFFF7800  }
0x1a: {  	[hbm4b:s15+s3] =	stream.linear.scatter [tilespmem:s8], [sflag:$0x4], $0x8800, $0x38;
	[tilespmem:$0x11480] =	vst v63  }
0x1b: {  	_ =	swait.ge [sflag:s14], $0x8800  }
0x1c: {  	[sflag:s14] =	ssyncset.done $0x0  }
0x1d: {  	s16 =	simm.s32 $0x330;
	[sflag:s14] =	ssyncadd.s32 $0xFFFF7800  }
0x1e: {  	[tilespmem:s8], [sflag:$0x2] =	stream.indirect.gather [hbm4b:s2+s6], $0x80, s16, s6, $0xb8;
	[tilespmem:$0x11480] =	vst v63  }
0x1f: {  	_ =	swait.ge [sflag:s9], $0x8800  }
0x20: {  	s20 =	ssub.s32 $0x2, s18;
	[sflag:s9] =	ssyncset.done $0x0  }
0x21: {  	s31 =	sshrl.u32 s20, $0x1;
	s17 =	sadd.s32 $0x2200, s19;
	[sflag:s9] =	ssyncadd.s32 $0xFFFF7800  }
0x22: {  	[hbm4b:s17+s3] =	stream.linear.scatter [tilespmem:s7], [sflag:$0x3], $0x8800, $0x38;
	[tilespmem:$0x11480] =	vst v63  }
0x23: {  	s18 =	sadd.s32 $0x3300, s19;
	s19 =	ssub.s32 s20, s31;
	_ =	swait.ge [sflag:s13], $0x8800  }
0x24: {  	s19 =	smax.u32 s19, $0x1;
	[sflag:s13] =	ssyncset.done $0x0  }
0x25: {  	p0 =	sne.s32 s19, $0x1;
	[sflag:s13] =	ssyncadd.s32 $0xFFFF7800  }
0x26: {  	[hbm4b:s18+s3] =	stream.linear.scatter [tilespmem:s8], [sflag:$0x4], $0x8800, $0x38;
	[tilespmem:$0x11480] =	vst v63  }
.Ltmp0:
0x27: {  	_ =	swait.ge [sflag:s11], $0x8800;
	(pc) =	sbr.rel @!p0 .LBB2_2-.Ltmp0, $4  }
0x28: {  	[sflag:s11] =	ssyncset.done $0x0  }
0x29: {  	[sflag:s11] =	ssyncadd.s32 $0xFFFF7800  }
0x2a: {  	_ =	swait.ge [sflag:s14], $0x8800  }
0x2b: {  	s19 =	sadd.s32 $0xFFFFFFFF, s19;
	[sflag:s14] =	ssyncset.done $0x0  }
.LBB2_1:
0x2c: {  	p0 =	sne.s32 s19, $0x1;
	s19 =	sadd.s32 $0xFFFFFFFF, s19;
	[sflag:s14] =	ssyncadd.s32 $0xFFFF7800  }
0x2d: {  	[tilespmem:s3], [sflag:$0x5] =	stream.linear.gather [hbm4b:s4+s3], $0x440, $0x38;
	[tilespmem:$0x11480] =	vst v63  }
0x2e: {  	_ =	swait.ge [sflag:s5], $0x440  }
0x2f: {  	[sflag:s5] =	ssyncset.done $0x0  }
0x30: {  	[sflag:s5] =	ssyncadd.s32 $0xFFFFFBC0  }
0x31: {  	[tilespmem:s7], [sflag:$0x1] =	stream.indirect.gather [hbm4b:s2+s6], $0x80, s3, s6, $0xb8;
	[tilespmem:$0x11480] =	vst v63  }
0x32: {  	_ = 	snop  }
0x33: {  	[tilespmem:s8], [sflag:$0x2] =	stream.indirect.gather [hbm4b:s2+s6], $0x80, s6, s6, $0xb8;
	[tilespmem:$0x11480] =	vst v63  }
0x34: {  	_ =	swait.ge [sflag:s9], $0x8800  }
0x35: {  	[sflag:s9] =	ssyncset.done $0x0  }
0x36: {  	[sflag:s9] =	ssyncadd.s32 $0xFFFF7800  }
0x37: {  	[hbm4b:s10+s3] =	stream.linear.scatter [tilespmem:s7], [sflag:$0x3], $0x8800, $0x38;
	[tilespmem:$0x11480] =	vst v63  }
0x38: {  	_ =	swait.ge [sflag:s11], $0x8800  }
0x39: {  	[sflag:s11] =	ssyncset.done $0x0  }
0x3a: {  	[sflag:s11] =	ssyncadd.s32 $0xFFFF7800  }
0x3b: {  	[tilespmem:s7], [sflag:$0x1] =	stream.indirect.gather [hbm4b:s2+s6], $0x80, s12, s6, $0xb8;
	[tilespmem:$0x11480] =	vst v63  }
0x3c: {  	_ =	swait.ge [sflag:s13], $0x8800  }
0x3d: {  	[sflag:s13] =	ssyncset.done $0x0  }
0x3e: {  	[sflag:s13] =	ssyncadd.s32 $0xFFFF7800  }
0x3f: {  	[hbm4b:s15+s3] =	stream.linear.scatter [tilespmem:s8], [sflag:$0x4], $0x8800, $0x38;
	[tilespmem:$0x11480] =	vst v63  }
0x40: {  	_ =	swait.ge [sflag:s14], $0x8800  }
0x41: {  	[sflag:s14] =	ssyncset.done $0x0  }
0x42: {  	[sflag:s14] =	ssyncadd.s32 $0xFFFF7800  }
0x43: {  	[tilespmem:s8], [sflag:$0x2] =	stream.indirect.gather [hbm4b:s2+s6], $0x80, s16, s6, $0xb8;
	[tilespmem:$0x11480] =	vst v63  }
0x44: {  	_ =	swait.ge [sflag:s9], $0x8800  }
0x45: {  	[sflag:s9] =	ssyncset.done $0x0  }
0x46: {  	[sflag:s9] =	ssyncadd.s32 $0xFFFF7800  }
0x47: {  	[hbm4b:s17+s3] =	stream.linear.scatter [tilespmem:s7], [sflag:$0x3], $0x8800, $0x38;
	[tilespmem:$0x11480] =	vst v63  }
0x48: {  	_ =	swait.ge [sflag:s13], $0x8800  }
0x49: {  	[sflag:s13] =	ssyncset.done $0x0  }
0x4a: {  	[sflag:s13] =	ssyncadd.s32 $0xFFFF7800  }
0x4b: {  	[hbm4b:s18+s3] =	stream.linear.scatter [tilespmem:s8], [sflag:$0x4], $0x8800, $0x38;
	[tilespmem:$0x11480] =	vst v63  }
.Ltmp1:
0x4c: {  	_ =	swait.ge [sflag:s11], $0x8800;
	(pc) =	sbr.rel @p0 .LBB2_1-.Ltmp1, $4  }
0x4d: {  	[sflag:s11] =	ssyncset.done $0x0  }
0x4e: {  	[sflag:s11] =	ssyncadd.s32 $0xFFFF7800  }
0x4f: {  	_ =	swait.ge [sflag:s14], $0x8800  }
0x50: {  	[sflag:s14] =	ssyncset.done $0x0  }
.LBB2_2:
0x51: {  	[sflag:s14] =	ssyncadd.s32 $0xFFFF7800  }
0x52: {  	_ =	sfence.sel $0x180000  }
0x53: {  	[bflag:$0x0] =	sbarrier.arrive $0xFFFF  }
0x54: {  	p0 =	sne.s32 s0, $0x0;
	_ =	strace $0x9000004A  }
0x55: {  	s0 =	sadd.s32 @!p0 $0x100000, s1;
	[bflag:$0x2] =	sbarrier.arrive $0xFFFF  }
0x56: {  	[sflag:s0] =	ssyncadd.tile.s32 @!p0 $0x1;
	_ =	shalt  }
.Lfunc_end2:
_tile_overlayer_lowered:
.L_overlay_start_2:
0x57: {  	(tag) =	ssettag $0x2  }
0x58: {  	s0 =	rddreg [dreg:$0x0];
	s2 =	stileid.u32  }
0x59: {  	s1 =	rddreg [dreg:$0x1];
	p0 =	sne.s32 s2, $0x0  }
0x5a: {  	s3 =	rddreg [dreg:$0x2];
	[bflag:$0x3] =	sbarrier.arrive $0xFFFF;
	s2 =	simm.s32 @!p0 $0x1C05  }
0x5b: {  	[timem:s3], [sflag:s2] =	dma.local @!p0 [hbm:s0], s1  }
0x5c: {  	s0 =	simm.s32 @!p0 $0x5  }
0x5d: {  	_ =	swait.ge @!p0 [sflag:s0], s1  }
0x5e: {  	s1 =	ssub.s32 @!p0 $0x0, s1;
	[sflag:s0] =	ssyncset.done @!p0 $0x0  }
0x5f: {  	[sflag:s0] =	ssyncadd.s32 @!p0 s1  }
0x60: {  	[bflag:$0x3] =	sbarrier.arrive $0xFFFF  }
0x61: {  	_ =	shalt  }

</sc_bundles>
